<compile_context>
chip_gen: v7x
topology: tpu7x:2x2x1
jax: 0.10.2.dev20260603
libtpu: 0.0.44.dev20260713+nightly
codegen_flags: <defaults>
</compile_context>

<pallas_src>
import functools

import jax
import jax.numpy as jnp
from jax import lax
from jax.experimental import pallas as pl
from jax.experimental.pallas import tpu as pltpu
from jax.experimental.pallas import tpu_sc as plsc

D = 768
NH = 8
HD = D // NH

_PREC = lax.Precision.DEFAULT



def _top2_rows(sim, n_total):
    cols = lax.broadcasted_iota(jnp.int32, sim.shape, 1)
    big = jnp.int32(n_total + 1)
    m1 = jnp.max(sim, axis=1, keepdims=True)
    c1 = jnp.min(jnp.where(sim == m1, cols, big), axis=1)
    sim2 = jnp.where(cols == c1[:, None], -jnp.inf, sim)
    m2 = jnp.max(sim2, axis=1, keepdims=True)
    c2 = jnp.min(jnp.where(sim2 == m2, cols, big), axis=1)
    return c1, c2


def _token_hashes(t):
    bits = lax.bitcast_convert_type(t, jnp.int32)
    k = lax.broadcasted_iota(jnp.int32, bits.shape, 1)
    a1 = k * 2 + 1
    a2 = (k + 7) * jnp.int32(-1640531527) * 2 + 1
    h1 = jnp.sum(bits * a1, axis=1)
    h2 = jnp.sum(bits * a2 + (bits >> 7), axis=1)
    return h1, h2


def _rep_kernel(hb_ref, h_ref, rep_ref, *, n):
    h1 = h_ref[0, :][None, :]
    h2 = h_ref[1, :][None, :]
    hb1 = hb_ref[0, :][:, None]
    hb2 = hb_ref[1, :][:, None]
    eq = (hb1 == h1) & (hb2 == h2)
    cols = lax.broadcasted_iota(jnp.int32, eq.shape, 1)
    rep = jnp.min(jnp.where(eq, cols, n), axis=1)
    rowid = lax.broadcasted_iota(jnp.int32, rep_ref.shape, 0)
    rep_ref[...] = jnp.where(rowid == 0, rep[None, :], 0)


def _hash_kernel(all_ref, h_ref):
    h1, h2 = _token_hashes(all_ref[...])
    rowid = lax.broadcasted_iota(jnp.int32, h_ref.shape, 0)
    h_ref[...] = jnp.where(rowid == 0, h1[None, :],
                           jnp.where(rowid == 1, h2[None, :], 0))


def _dup_rep(tokens):
    n = tokens.shape[0]
    h = pl.pallas_call(
        _hash_kernel,
        out_shape=jax.ShapeDtypeStruct((8, n), jnp.int32),
    )(tokens)
    cb = 256
    return pl.pallas_call(
        functools.partial(_rep_kernel, n=n),
        grid=((n + cb - 1) // cb,),
        in_specs=[pl.BlockSpec((8, cb), lambda i: (0, i)),
                  pl.BlockSpec((8, n), lambda i: (0, 0))],
        out_specs=pl.BlockSpec((8, cb), lambda i: (0, i)),
        out_shape=jax.ShapeDtypeStruct((8, n), jnp.int32),
    )(h, h)


def _top2_kernel(rows_ref, all_ref, pairs_ref, *, n_total):
    t = all_ref[...]
    nrm = jnp.sqrt(jnp.sum(t * t, axis=1))
    r = rows_ref[...]
    nr = jnp.sqrt(jnp.sum(r * r, axis=1))
    dots = lax.dot_general(r, t, (((1,), (1,)), ((), ())), precision=_PREC)
    den = jnp.maximum(nr[:, None] * nrm[None, :], 1e-8)
    sim = dots / den
    c1, c2 = _top2_rows(sim, n_total)
    rowid = lax.broadcasted_iota(jnp.int32, pairs_ref.shape, 0)
    pairs_ref[...] = jnp.where(rowid == 0, c1[None, :],
                               jnp.where(rowid == 1, c2[None, :], 0))


def _top2_pairs(tokens, m):
    n = tokens.shape[0]
    rb = 128
    grid = (m + rb - 1) // rb
    return pl.pallas_call(
        functools.partial(_top2_kernel, n_total=n),
        grid=(grid,),
        in_specs=[
            pl.BlockSpec((rb, D), lambda i: (i, 0)),
            pl.BlockSpec((n, D), lambda i: (0, 0)),
        ],
        out_specs=pl.BlockSpec((8, rb), lambda i: (0, i)),
        out_shape=jax.ShapeDtypeStruct((8, m), jnp.int32),
    )(tokens, tokens)


def _sim_kernel(rows_ref, all_ref, sim_ref):
    t = all_ref[...]
    nrm = jnp.sqrt(jnp.sum(t * t, axis=1))
    r = rows_ref[...]
    nr = jnp.sqrt(jnp.sum(r * r, axis=1))
    dots = lax.dot_general(r, t, (((1,), (1,)), ((), ())), precision=_PREC)
    den = jnp.maximum(nr[:, None] * nrm[None, :], 1e-8)
    sim_ref[...] = dots / den


def _select_kernel(sim_ref, pairs_ref, *, n_total):
    c1, c2 = _top2_rows(sim_ref[...], n_total)
    rowid = lax.broadcasted_iota(jnp.int32, pairs_ref.shape, 0)
    pairs_ref[...] = jnp.where(rowid == 0, c1[None, :],
                               jnp.where(rowid == 1, c2[None, :], 0))


def _top2_pairs_canon(tokens, m):
    n = tokens.shape[0]
    rep = _dup_rep(tokens)
    rb = 128
    grid = (m + rb - 1) // rb
    sim = pl.pallas_call(
        _sim_kernel,
        grid=(grid,),
        in_specs=[
            pl.BlockSpec((rb, D), lambda i: (i, 0)),
            pl.BlockSpec((n, D), lambda i: (0, 0)),
        ],
        out_specs=pl.BlockSpec((rb, n), lambda i: (i, 0)),
        out_shape=jax.ShapeDtypeStruct((m, n), jnp.float32),
    )(tokens, tokens)
    sim = jnp.take(sim, rep[0, :], axis=1)
    return pl.pallas_call(
        functools.partial(_select_kernel, n_total=n),
        grid=(grid,),
        in_specs=[pl.BlockSpec((rb, n), lambda i: (i, 0))],
        out_specs=pl.BlockSpec((8, rb), lambda i: (0, i)),
        out_shape=jax.ShapeDtypeStruct((8, m), jnp.int32),
    )(sim)



_FPW = 32
_NW = D // _FPW


def _merge_scan(tokens, pairs, keep, wa, wb):
    n = tokens.shape[0]
    m = pairs.shape[1]
    mesh = plsc.VectorSubcoreMesh(core_axis_name="c", subcore_axis_name="s")

    def body(tok_hbm, pairs_hbm, out_hbm, tok_v, pairs_v):
        w = lax.axis_index("s") * 2 + lax.axis_index("c")

        @pl.when(w < _NW)
        def _():
            base = w * _FPW
            pltpu.sync_copy(tok_hbm.at[:, pl.ds(base, _FPW)], tok_v)
            pltpu.sync_copy(pairs_hbm.at[pl.ds(0, 2)],
                            pairs_v.at[:, pl.ds(0, m)])

            def step(i, carry):
                a = pairs_v[0, pl.ds(i, 16)][0]
                b = pairs_v[1, pl.ds(i, 16)][0]
                a0 = tok_v[a, pl.ds(0, 16)]
                a1 = tok_v[a, pl.ds(16, 16)]
                b0 = tok_v[b, pl.ds(0, 16)]
                b1 = tok_v[b, pl.ds(16, 16)]
                n0 = a0 * wa + b0 * wb
                n1 = a1 * wa + b1 * wb
                tok_v[a, pl.ds(0, 16)] = n0
                tok_v[a, pl.ds(16, 16)] = n1
                tok_v[b, pl.ds(0, 16)] = n0
                tok_v[b, pl.ds(16, 16)] = n1
                return carry

            lax.fori_loop(0, m, step, 0)
            pltpu.sync_copy(tok_v.at[pl.ds(0, keep)],
                            out_hbm.at[:, pl.ds(base, _FPW)])

    run = pl.kernel(
        body,
        out_type=jax.ShapeDtypeStruct((keep, D), jnp.float32),
        mesh=mesh,
        compiler_params=pltpu.CompilerParams(use_tc_tiling_on_sc=False),
        scratch_types=[
            pltpu.VMEM((n, _FPW), jnp.float32),
            pltpu.VMEM((2, m + 16), jnp.int32),
        ],
    )
    return run(tokens, pairs)




def _layernorm(x, g, b, eps=1e-5):
    m = x.mean(-1, keepdims=True)
    v = ((x - m) ** 2).mean(-1, keepdims=True)
    return (x - m) / jnp.sqrt(v + eps) * g + b


def _mha_ln_kernel(tok_ref, inw_ref, inb_ref, outw_ref, outb_ref,
                   g_ref, b_ref, t3_ref, *, n):
    x = tok_ref[...]
    qkv = lax.dot_general(x, inw_ref[...], (((1,), (1,)), ((), ())),
                          precision=_PREC) + inb_ref[...]
    scale = 1.0 / (HD ** 0.5)
    heads = []
    for h in range(NH):
        q = qkv[:, h * HD:(h + 1) * HD]
        k = qkv[:, D + h * HD:D + (h + 1) * HD]
        v = qkv[:, 2 * D + h * HD:2 * D + (h + 1) * HD]
        s = lax.dot_general(q, k, (((1,), (1,)), ((), ())),
                            precision=_PREC) * scale
        smax = jnp.max(s, axis=-1, keepdims=True)
        e = jnp.exp(s - smax)
        att = e / jnp.sum(e, axis=-1, keepdims=True)
        heads.append(lax.dot_general(att, v, (((1,), (0,)), ((), ())),
                                     precision=_PREC))
    o = jnp.concatenate(heads, axis=1)
    attn = lax.dot_general(o, outw_ref[...], (((1,), (1,)), ((), ())),
                           precision=_PREC) + outb_ref[...]
    t3_ref[...] = _layernorm(x + attn, g_ref[...], b_ref[...])


def _mha_ln(tokens, inw, inb, outw, outb, g, b):
    n = tokens.shape[0]
    return pl.pallas_call(
        functools.partial(_mha_ln_kernel, n=n),
        out_shape=jax.ShapeDtypeStruct((n, D), jnp.float32),
    )(tokens, inw, inb.reshape(1, -1), outw, outb.reshape(1, -1),
      g.reshape(1, -1), b.reshape(1, -1))




def _ffn_ln_kernel(tok_ref, w1_ref, b1_ref, w2_ref, b2_ref, g_ref, b_ref,
                   out_ref):
    x = tok_ref[...]
    h = lax.dot_general(x, w1_ref[...], (((1,), (1,)), ((), ())),
                        precision=_PREC) + b1_ref[...]
    h = 0.5 * h * (1.0 + lax.erf(h * (2.0 ** -0.5)))
    f = lax.dot_general(h, w2_ref[...], (((1,), (1,)), ((), ())),
                        precision=_PREC) + b2_ref[...]
    out_ref[...] = _layernorm(x + f, g_ref[...], b_ref[...])


def _ffn_ln(tokens, w1, b1, w2, b2, g, b):
    n = tokens.shape[0]
    return pl.pallas_call(
        _ffn_ln_kernel,
        out_shape=jax.ShapeDtypeStruct((n, D), jnp.float32),
    )(tokens, w1, b1.reshape(1, -1), w2, b2.reshape(1, -1),
      g.reshape(1, -1), b.reshape(1, -1))




def kernel(video_frames, attn_in_w, attn_in_b, attn_out_w, attn_out_b,
           ln1_g, ln1_b, ffn_w1, ffn_b1, ffn_w2, ffn_b2, ln2_g, ln2_b):
    tokens = video_frames.reshape(-1, D)

    pairs1 = _top2_pairs(tokens, 1600)
    tokens = _merge_scan(tokens, pairs1, 1600, 0.5, 0.5)

    pairs2 = _top2_pairs_canon(tokens, 800)
    tokens = _merge_scan(tokens, pairs2, 800, 0.5, 0.5)

    tokens = _mha_ln(tokens, attn_in_w, attn_in_b,
                     attn_out_w, attn_out_b, ln1_g, ln1_b)
    pairs3 = _top2_pairs_canon(tokens, 200)
    tokens = _merge_scan(tokens, pairs3, 600, 0.6, 0.4)

    return _ffn_ln(tokens, ffn_w1, ffn_b1, ffn_w2, ffn_b2, ln2_g, ln2_b)

# --- scband reference (transcript-rebuilt; emitter-appended) ---
"""Pipeline reference for scband-temp-me-23235773071502 (READ-ONLY COPY).

The authoritative reference and input builder live on the scoring server;
editing this copy changes nothing except your own understanding.
"""

import jax, jax.numpy as jnp
import numpy as np

D = 768
NH = 8


def setup_inputs(seed: int = 0) -> dict:
    key = jax.random.key(seed)
    ks = jax.random.split(key, 8)
    s = 0.02
    inp = {}
    inp["video_frames"] = jax.random.normal(ks[0], (64, 50, D), dtype=jnp.float32)
    inp["attn_in_w"] = jax.random.normal(ks[1], (3 * D, D), dtype=jnp.float32) * s
    inp["attn_in_b"] = jnp.zeros((3 * D,), dtype=jnp.float32)
    inp["attn_out_w"] = jax.random.normal(ks[2], (D, D), dtype=jnp.float32) * s
    inp["attn_out_b"] = jnp.zeros((D,), dtype=jnp.float32)
    inp["ln1_g"] = jnp.ones((D,), dtype=jnp.float32)
    inp["ln1_b"] = jnp.zeros((D,), dtype=jnp.float32)
    inp["ffn_w1"] = jax.random.normal(ks[3], (4 * D, D), dtype=jnp.float32) * s
    inp["ffn_b1"] = jnp.zeros((4 * D,), dtype=jnp.float32)
    inp["ffn_w2"] = jax.random.normal(ks[4], (D, 4 * D), dtype=jnp.float32) * s
    inp["ffn_b2"] = jnp.zeros((D,), dtype=jnp.float32)
    inp["ln2_g"] = jnp.ones((D,), dtype=jnp.float32)
    inp["ln2_b"] = jnp.zeros((D,), dtype=jnp.float32)
    return inp


def _merge(tokens, ratio, wa, wb):
    N, d = tokens.shape
    num_merge = int(N * ratio)
    if num_merge == 0:
        return tokens
    norms = jnp.linalg.norm(tokens, axis=-1)
    sim = (tokens @ tokens.T) / jnp.maximum(norms[:, None] * norms[None, :], 1e-8)
    _, idx = jax.lax.top_k(sim, num_merge)
    pairs = idx[:num_merge, :2]

    def body(t, pair):
        a = pair[0]
        b = pair[1]
        new_a = t[a] * wa + t[b] * wb
        t = t.at[a].set(new_a)
        t = t.at[b].set(new_a)
        return t, None

    tokens, _ = jax.lax.scan(body, tokens, pairs)
    return tokens[: N - num_merge]


def _layernorm(x, g, b, eps=1e-5):
    m = x.mean(-1, keepdims=True)
    v = ((x - m) ** 2).mean(-1, keepdims=True)
    return (x - m) / jnp.sqrt(v + eps) * g + b


def _mha(x, in_w, in_b, out_w, out_b, nh=NH):
    L, d = x.shape
    qkv = x @ in_w.T + in_b
    q, k, v = jnp.split(qkv, 3, axis=-1)
    hd = d // nh
    q = q.reshape(L, nh, hd).transpose(1, 0, 2)
    k = k.reshape(L, nh, hd).transpose(1, 0, 2)
    v = v.reshape(L, nh, hd).transpose(1, 0, 2)
    att = jax.nn.softmax((q @ k.transpose(0, 2, 1)) / (hd ** 0.5), axis=-1)
    o = (att @ v).transpose(1, 0, 2).reshape(L, d)
    return o @ out_w.T + out_b


def reference(video_frames, attn_in_w, attn_in_b, attn_out_w, attn_out_b,
              ln1_g, ln1_b, ffn_w1, ffn_b1, ffn_w2, ffn_b2, ln2_g, ln2_b):
    rr = 0.5
    tokens = video_frames.reshape(video_frames.shape[0], -1, video_frames.shape[-1])
    tokens = tokens.reshape(-1, tokens.shape[-1])
    # img_me_block
    tokens = _merge(tokens, rr, 0.5, 0.5)
    # cross_clip_merging
    tokens = _merge(tokens, rr, 0.5, 0.5)
    attn_out = _mha(tokens, attn_in_w, attn_in_b, attn_out_w, attn_out_b)
    tokens = _layernorm(tokens + attn_out, ln1_g, ln1_b)
    # intra_clip_merging
    tokens = _merge(tokens, rr / 2, 0.6, 0.4)
    h = jax.nn.gelu(tokens @ ffn_w1.T + ffn_b1, approximate=False)
    ffn_out = h @ ffn_w2.T + ffn_b2
    tokens = _layernorm(tokens + ffn_out, ln2_g, ln2_b)
    return tokens

if __name__ == "__main__":
    import jax
    _d = setup_inputs()
    print(jax.jit(kernel)(*tuple(_d.values())))

</pallas_src>

<mosaic_0001>
#map = affine_map<(d0, d1) -> (0, 0)>
module attributes {stable_mosaic.version = 14 : i64} {
  func.func @body(%arg0: i32, %arg1: i32, %arg2: memref<3200x768xf32, #tpu.memory_space<hbm>>, %arg3: memref<8x1600xi32, #tpu.memory_space<hbm>>, %arg4: memref<1600x768xf32, #tpu.memory_space<hbm>>, %arg5: memref<3200x32xf32, #tpu.memory_space<vmem>>, %arg6: memref<2x1616xi32, #tpu.memory_space<vmem>>) attributes {dimension_semantics = [#tpu.dimension_semantics<core_parallel>, #tpu.dimension_semantics<subcore_parallel>], iteration_bounds = array<i64: 2, 16>, scalar_prefetch = 0 : i64, scratch_operands = 2 : i64, tpu.core_type = #tpu.core_type<sc_vector_subcore>, window_params = [{transform_indices = #map}, {transform_indices = #map}, {transform_indices = #map}]} {
    %mul3A = arith.constant 2 : i32
    %mul3A_0 = arith.muli %arg1, %mul3A : i32
    %add3A = arith.addi %mul3A_0, %arg0 : i32
    %lt3A = arith.constant 24 : i32
    %lt3A_1 = arith.cmpi slt, %add3A, %lt3A : i32
    %convert_element_type3A = arith.extui %lt3A_1 : i1 to i32
    %cond3A = arith.constant 0 : i32
    %cond3A_2 = arith.cmpi ne, %convert_element_type3A, %cond3A : i32
    scf.if %cond3A_2 {
      %mul3A_3 = arith.constant 32 : i32
      %mul3A_4 = arith.muli %add3A, %mul3A_3 : i32
      "tpu.region"() ({
        %run_scoped3A = tpu.sem_alloc : memref<!tpu.dma_semaphore, #tpu.memory_space<semaphore_mem>>
        %dma_start3A = arith.constant 0 : i32
        %dma_start3A_10 = tpu.memref_slice %arg2[%dma_start3A, %mul3A_4] : memref<3200x768xf32, #tpu.memory_space<hbm>> -> memref<3200x32xf32, #tpu.memory_space<hbm>>
        %dma_start3A_11 = arith.constant 0 : i32
        %dma_start3A_12 = tpu.memref_slice %arg2[%dma_start3A_11, %mul3A_4] : memref<3200x768xf32, #tpu.memory_space<hbm>> -> memref<3200x32xf32, #tpu.memory_space<hbm>>
        tpu.enqueue_dma source(%dma_start3A_12 : memref<3200x32xf32, #tpu.memory_space<hbm>>) target(%arg5 : memref<3200x32xf32, #tpu.memory_space<vmem>>) target_semaphore(%run_scoped3A : memref<!tpu.dma_semaphore, #tpu.memory_space<semaphore_mem>>)
        %dma_wait3A = arith.constant 0 : i32
        %dma_wait3A_13 = tpu.memref_slice %arg2[%dma_wait3A, %mul3A_4] : memref<3200x768xf32, #tpu.memory_space<hbm>> -> memref<3200x32xf32, #tpu.memory_space<hbm>>
        %dma_wait3A_14 = arith.constant 0 : i32
        %dma_wait3A_15 = tpu.memref_slice %arg2[%dma_wait3A_14, %mul3A_4] : memref<3200x768xf32, #tpu.memory_space<hbm>> -> memref<3200x32xf32, #tpu.memory_space<hbm>>
        tpu.wait_dma2 semaphore(%run_scoped3A : memref<!tpu.dma_semaphore, #tpu.memory_space<semaphore_mem>>) src(%dma_wait3A_15 : memref<3200x32xf32, #tpu.memory_space<hbm>>) dst(%arg5 : memref<3200x32xf32, #tpu.memory_space<vmem>>)
        tpu.yield
      }) : () -> ()
      "tpu.region"() ({
        %run_scoped3A = tpu.sem_alloc : memref<!tpu.dma_semaphore, #tpu.memory_space<semaphore_mem>>
        %dma_start3A = arith.constant 0 : i32
        %dma_start3A_10 = arith.constant 0 : i32
        %dma_start3A_11 = tpu.memref_slice %arg6[%dma_start3A, %dma_start3A_10] : memref<2x1616xi32, #tpu.memory_space<vmem>> -> memref<2x1600xi32, #tpu.memory_space<vmem>>
        %dma_start3A_12 = arith.constant 0 : i32
        %dma_start3A_13 = arith.constant 0 : i32
        %dma_start3A_14 = tpu.memref_slice %arg3[%dma_start3A_12, %dma_start3A_13] : memref<8x1600xi32, #tpu.memory_space<hbm>> -> memref<2x1600xi32, #tpu.memory_space<hbm>>
        %dma_start3A_15 = arith.constant 0 : i32
        %dma_start3A_16 = arith.constant 0 : i32
        %dma_start3A_17 = tpu.memref_slice %arg6[%dma_start3A_15, %dma_start3A_16] : memref<2x1616xi32, #tpu.memory_space<vmem>> -> memref<2x1600xi32, #tpu.memory_space<vmem>>
        %dma_start3A_18 = arith.constant 0 : i32
        %dma_start3A_19 = arith.constant 0 : i32
        %dma_start3A_20 = tpu.memref_slice %arg3[%dma_start3A_18, %dma_start3A_19] : memref<8x1600xi32, #tpu.memory_space<hbm>> -> memref<2x1600xi32, #tpu.memory_space<hbm>>
        tpu.enqueue_dma source(%dma_start3A_20 : memref<2x1600xi32, #tpu.memory_space<hbm>>) target(%dma_start3A_17 : memref<2x1600xi32, #tpu.memory_space<vmem>>) target_semaphore(%run_scoped3A : memref<!tpu.dma_semaphore, #tpu.memory_space<semaphore_mem>>)
        %dma_wait3A = arith.constant 0 : i32
        %dma_wait3A_21 = arith.constant 0 : i32
        %dma_wait3A_22 = tpu.memref_slice %arg6[%dma_wait3A, %dma_wait3A_21] : memref<2x1616xi32, #tpu.memory_space<vmem>> -> memref<2x1600xi32, #tpu.memory_space<vmem>>
        %dma_wait3A_23 = arith.constant 0 : i32
        %dma_wait3A_24 = arith.constant 0 : i32
        %dma_wait3A_25 = tpu.memref_slice %arg3[%dma_wait3A_23, %dma_wait3A_24] : memref<8x1600xi32, #tpu.memory_space<hbm>> -> memref<2x1600xi32, #tpu.memory_space<hbm>>
        %dma_wait3A_26 = arith.constant 0 : i32
        %dma_wait3A_27 = arith.constant 0 : i32
        %dma_wait3A_28 = tpu.memref_slice %arg6[%dma_wait3A_26, %dma_wait3A_27] : memref<2x1616xi32, #tpu.memory_space<vmem>> -> memref<2x1600xi32, #tpu.memory_space<vmem>>
        %dma_wait3A_29 = arith.constant 0 : i32
        %dma_wait3A_30 = arith.constant 0 : i32
        %dma_wait3A_31 = tpu.memref_slice %arg3[%dma_wait3A_29, %dma_wait3A_30] : memref<8x1600xi32, #tpu.memory_space<hbm>> -> memref<2x1600xi32, #tpu.memory_space<hbm>>
        tpu.wait_dma2 semaphore(%run_scoped3A : memref<!tpu.dma_semaphore, #tpu.memory_space<semaphore_mem>>) src(%dma_wait3A_31 : memref<2x1600xi32, #tpu.memory_space<hbm>>) dst(%dma_wait3A_28 : memref<2x1600xi32, #tpu.memory_space<vmem>>)
        tpu.yield
      }) : () -> ()
      %scan3A = arith.constant 0 : i32
      %scan3A_5 = arith.constant 0 : i32
      %scan3A_6 = arith.constant 1600 : i32
      %scan3A_7 = arith.addi %scan3A_5, %scan3A_6 : i32
      %scan3A_8 = arith.constant 1 : i32
      scf.for %scan3A_10 = %scan3A_5 to %scan3A_7 step %scan3A_8  : i32 {
        %get3A = arith.constant 0 : i32
        %get3A_11 = arith.index_cast %get3A : i32 to index
        %get3A_12 = arith.index_cast %scan3A_10 : i32 to index
        %get3A_13 = tpu.vector_load %arg6[%get3A_11, %get3A_12] {strides = array<i32>} : memref<2x1616xi32, #tpu.memory_space<vmem>>, vector<1x16xi32>,
        %get3A_14 = vector.shape_cast %get3A_13 : vector<1x16xi32> to vector<16xi32>
        %slice3A = vector.extract_strided_slice %get3A_14 {offsets = [0], sizes = [1], strides = [1]} : vector<16xi32> to vector<1xi32>
        %squeeze3A = vector.extract %slice3A[0] : i32 from vector<1xi32>
        %get3A_15 = arith.constant 1 : i32
        %get3A_16 = arith.index_cast %get3A_15 : i32 to index
        %get3A_17 = arith.index_cast %scan3A_10 : i32 to index
        %get3A_18 = tpu.vector_load %arg6[%get3A_16, %get3A_17] {strides = array<i32>} : memref<2x1616xi32, #tpu.memory_space<vmem>>, vector<1x16xi32>,
        %get3A_19 = vector.shape_cast %get3A_18 : vector<1x16xi32> to vector<16xi32>
        %slice3A_20 = vector.extract_strided_slice %get3A_19 {offsets = [0], sizes = [1], strides = [1]} : vector<16xi32> to vector<1xi32>
        %squeeze3A_21 = vector.extract %slice3A_20[0] : i32 from vector<1xi32>
        %get3A_22 = arith.index_cast %squeeze3A : i32 to index
        %get3A_23 = arith.constant 0 : index
        %get3A_24 = tpu.vector_load %arg5[%get3A_22, %get3A_23] {strides = array<i32>} : memref<3200x32xf32, #tpu.memory_space<vmem>>, vector<1x16xf32>,
        %get3A_25 = vector.shape_cast %get3A_24 : vector<1x16xf32> to vector<16xf32>
        %get3A_26 = arith.index_cast %squeeze3A : i32 to index
        %get3A_27 = arith.constant 16 : index
        %get3A_28 = tpu.vector_load %arg5[%get3A_26, %get3A_27] {strides = array<i32>} : memref<3200x32xf32, #tpu.memory_space<vmem>>, vector<1x16xf32>,
        %get3A_29 = vector.shape_cast %get3A_28 : vector<1x16xf32> to vector<16xf32>
        %get3A_30 = arith.index_cast %squeeze3A_21 : i32 to index
        %get3A_31 = arith.constant 0 : index
        %get3A_32 = tpu.vector_load %arg5[%get3A_30, %get3A_31] {strides = array<i32>} : memref<3200x32xf32, #tpu.memory_space<vmem>>, vector<1x16xf32>,
        %get3A_33 = vector.shape_cast %get3A_32 : vector<1x16xf32> to vector<16xf32>
        %get3A_34 = arith.index_cast %squeeze3A_21 : i32 to index
        %get3A_35 = arith.constant 16 : index
        %get3A_36 = tpu.vector_load %arg5[%get3A_34, %get3A_35] {strides = array<i32>} : memref<3200x32xf32, #tpu.memory_space<vmem>>, vector<1x16xf32>,
        %get3A_37 = vector.shape_cast %get3A_36 : vector<1x16xf32> to vector<16xf32>
        %mul3A_38 = arith.constant 5.000000e-01 : f32
        %mul3A_39 = vector.broadcast %mul3A_38 : f32 to vector<16xf32>
        %mul3A_40 = arith.mulf %get3A_25, %mul3A_39 : vector<16xf32>
        %mul3A_41 = arith.constant 5.000000e-01 : f32
        %mul3A_42 = vector.broadcast %mul3A_41 : f32 to vector<16xf32>
        %mul3A_43 = arith.mulf %get3A_33, %mul3A_42 : vector<16xf32>
        %add3A_44 = arith.addf %mul3A_40, %mul3A_43 : vector<16xf32>
        %mul3A_45 = arith.constant 5.000000e-01 : f32
        %mul3A_46 = vector.broadcast %mul3A_45 : f32 to vector<16xf32>
        %mul3A_47 = arith.mulf %get3A_29, %mul3A_46 : vector<16xf32>
        %mul3A_48 = arith.constant 5.000000e-01 : f32
        %mul3A_49 = vector.broadcast %mul3A_48 : f32 to vector<16xf32>
        %mul3A_50 = arith.mulf %get3A_37, %mul3A_49 : vector<16xf32>
        %add3A_51 = arith.addf %mul3A_47, %mul3A_50 : vector<16xf32>
        %swap3A = arith.index_cast %squeeze3A : i32 to index
        %swap3A_52 = arith.constant 0 : index
        %swap3A_53 = tpu.vector_load %arg5[%swap3A, %swap3A_52] {strides = array<i32>} : memref<3200x32xf32, #tpu.memory_space<vmem>>, vector<1x16xf32>,
        %swap3A_54 = vector.shape_cast %swap3A_53 : vector<1x16xf32> to vector<16xf32>
        %swap3A_55 = vector.shape_cast %add3A_44 : vector<16xf32> to vector<1x16xf32>
        tpu.vector_store %arg5[%swap3A, %swap3A_52], %swap3A_55 {strides = array<i32>} : memref<3200x32xf32, #tpu.memory_space<vmem>>, vector<1x16xf32>,
        %swap3A_56 = arith.index_cast %squeeze3A : i32 to index
        %swap3A_57 = arith.constant 16 : index
        %swap3A_58 = tpu.vector_load %arg5[%swap3A_56, %swap3A_57] {strides = array<i32>} : memref<3200x32xf32, #tpu.memory_space<vmem>>, vector<1x16xf32>,
        %swap3A_59 = vector.shape_cast %swap3A_58 : vector<1x16xf32> to vector<16xf32>
        %swap3A_60 = vector.shape_cast %add3A_51 : vector<16xf32> to vector<1x16xf32>
        tpu.vector_store %arg5[%swap3A_56, %swap3A_57], %swap3A_60 {strides = array<i32>} : memref<3200x32xf32, #tpu.memory_space<vmem>>, vector<1x16xf32>,
        %swap3A_61 = arith.index_cast %squeeze3A_21 : i32 to index
        %swap3A_62 = arith.constant 0 : index
        %swap3A_63 = tpu.vector_load %arg5[%swap3A_61, %swap3A_62] {strides = array<i32>} : memref<3200x32xf32, #tpu.memory_space<vmem>>, vector<1x16xf32>,
        %swap3A_64 = vector.shape_cast %swap3A_63 : vector<1x16xf32> to vector<16xf32>
        %swap3A_65 = vector.shape_cast %add3A_44 : vector<16xf32> to vector<1x16xf32>
        tpu.vector_store %arg5[%swap3A_61, %swap3A_62], %swap3A_65 {strides = array<i32>} : memref<3200x32xf32, #tpu.memory_space<vmem>>, vector<1x16xf32>,
        %swap3A_66 = arith.index_cast %squeeze3A_21 : i32 to index
        %swap3A_67 = arith.constant 16 : index
        %swap3A_68 = tpu.vector_load %arg5[%swap3A_66, %swap3A_67] {strides = array<i32>} : memref<3200x32xf32, #tpu.memory_space<vmem>>, vector<1x16xf32>,
        %swap3A_69 = vector.shape_cast %swap3A_68 : vector<1x16xf32> to vector<16xf32>
        %swap3A_70 = vector.shape_cast %add3A_51 : vector<16xf32> to vector<1x16xf32>
        tpu.vector_store %arg5[%swap3A_66, %swap3A_67], %swap3A_70 {strides = array<i32>} : memref<3200x32xf32, #tpu.memory_space<vmem>>, vector<1x16xf32>,
      }
      %scan3A_9 = arith.constant 1600 : i32
      "tpu.region"() ({
        %run_scoped3A = tpu.sem_alloc : memref<!tpu.dma_semaphore, #tpu.memory_space<semaphore_mem>>
        %dma_start3A = arith.constant 0 : i32
        %dma_start3A_10 = arith.constant 0 : i32
        %dma_start3A_11 = tpu.memref_slice %arg5[%dma_start3A, %dma_start3A_10] : memref<3200x32xf32, #tpu.memory_space<vmem>> -> memref<1600x32xf32, #tpu.memory_space<vmem>>
        %dma_start3A_12 = arith.constant 0 : i32
        %dma_start3A_13 = tpu.memref_slice %arg4[%dma_start3A_12, %mul3A_4] : memref<1600x768xf32, #tpu.memory_space<hbm>> -> memref<1600x32xf32, #tpu.memory_space<hbm>>
        %dma_start3A_14 = arith.constant 0 : i32
        %dma_start3A_15 = tpu.memref_slice %arg4[%dma_start3A_14, %mul3A_4] : memref<1600x768xf32, #tpu.memory_space<hbm>> -> memref<1600x32xf32, #tpu.memory_space<hbm>>
        %dma_start3A_16 = arith.constant 0 : i32
        %dma_start3A_17 = arith.constant 0 : i32
        %dma_start3A_18 = tpu.memref_slice %arg5[%dma_start3A_16, %dma_start3A_17] : memref<3200x32xf32, #tpu.memory_space<vmem>> -> memref<1600x32xf32, #tpu.memory_space<vmem>>
        tpu.enqueue_dma source(%dma_start3A_18 : memref<1600x32xf32, #tpu.memory_space<vmem>>) target(%dma_start3A_15 : memref<1600x32xf32, #tpu.memory_space<hbm>>) target_semaphore(%run_scoped3A : memref<!tpu.dma_semaphore, #tpu.memory_space<semaphore_mem>>)
        %dma_wait3A = arith.constant 0 : i32
        %dma_wait3A_19 = arith.constant 0 : i32
        %dma_wait3A_20 = tpu.memref_slice %arg5[%dma_wait3A, %dma_wait3A_19] : memref<3200x32xf32, #tpu.memory_space<vmem>> -> memref<1600x32xf32, #tpu.memory_space<vmem>>
        %dma_wait3A_21 = arith.constant 0 : i32
        %dma_wait3A_22 = tpu.memref_slice %arg4[%dma_wait3A_21, %mul3A_4] : memref<1600x768xf32, #tpu.memory_space<hbm>> -> memref<1600x32xf32, #tpu.memory_space<hbm>>
        %dma_wait3A_23 = arith.constant 0 : i32
        %dma_wait3A_24 = tpu.memref_slice %arg4[%dma_wait3A_23, %mul3A_4] : memref<1600x768xf32, #tpu.memory_space<hbm>> -> memref<1600x32xf32, #tpu.memory_space<hbm>>
        %dma_wait3A_25 = arith.constant 0 : i32
        %dma_wait3A_26 = arith.constant 0 : i32
        %dma_wait3A_27 = tpu.memref_slice %arg5[%dma_wait3A_25, %dma_wait3A_26] : memref<3200x32xf32, #tpu.memory_space<vmem>> -> memref<1600x32xf32, #tpu.memory_space<vmem>>
        tpu.wait_dma2 semaphore(%run_scoped3A : memref<!tpu.dma_semaphore, #tpu.memory_space<semaphore_mem>>) src(%dma_wait3A_27 : memref<1600x32xf32, #tpu.memory_space<vmem>>) dst(%dma_wait3A_24 : memref<1600x32xf32, #tpu.memory_space<hbm>>)
        tpu.yield
      }) : () -> ()
    } else {
    }
    return
  }
}

#map = affine_map<(d0, d1) -> (0, 0)>
module attributes {stable_mosaic.version = 14 : i64} {
  func.func @body(%arg0: i32, %arg1: i32, %arg2: memref<800x768xf32, #tpu.memory_space<hbm>>, %arg3: memref<8x200xi32, #tpu.memory_space<hbm>>, %arg4: memref<600x768xf32, #tpu.memory_space<hbm>>, %arg5: memref<800x32xf32, #tpu.memory_space<vmem>>, %arg6: memref<2x216xi32, #tpu.memory_space<vmem>>) attributes {dimension_semantics = [#tpu.dimension_semantics<core_parallel>, #tpu.dimension_semantics<subcore_parallel>], iteration_bounds = array<i64: 2, 16>, scalar_prefetch = 0 : i64, scratch_operands = 2 : i64, tpu.core_type = #tpu.core_type<sc_vector_subcore>, window_params = [{transform_indices = #map}, {transform_indices = #map}, {transform_indices = #map}]} {
    %mul3A = arith.constant 2 : i32
    %mul3A_0 = arith.muli %arg1, %mul3A : i32
    %add3A = arith.addi %mul3A_0, %arg0 : i32
    %lt3A = arith.constant 24 : i32
    %lt3A_1 = arith.cmpi slt, %add3A, %lt3A : i32
    %convert_element_type3A = arith.extui %lt3A_1 : i1 to i32
    %cond3A = arith.constant 0 : i32
    %cond3A_2 = arith.cmpi ne, %convert_element_type3A, %cond3A : i32
    scf.if %cond3A_2 {
      %mul3A_3 = arith.constant 32 : i32
      %mul3A_4 = arith.muli %add3A, %mul3A_3 : i32
      "tpu.region"() ({
        %run_scoped3A = tpu.sem_alloc : memref<!tpu.dma_semaphore, #tpu.memory_space<semaphore_mem>>
        %dma_start3A = arith.constant 0 : i32
        %dma_start3A_10 = tpu.memref_slice %arg2[%dma_start3A, %mul3A_4] : memref<800x768xf32, #tpu.memory_space<hbm>> -> memref<800x32xf32, #tpu.memory_space<hbm>>
        %dma_start3A_11 = arith.constant 0 : i32
        %dma_start3A_12 = tpu.memref_slice %arg2[%dma_start3A_11, %mul3A_4] : memref<800x768xf32, #tpu.memory_space<hbm>> -> memref<800x32xf32, #tpu.memory_space<hbm>>
        tpu.enqueue_dma source(%dma_start3A_12 : memref<800x32xf32, #tpu.memory_space<hbm>>) target(%arg5 : memref<800x32xf32, #tpu.memory_space<vmem>>) target_semaphore(%run_scoped3A : memref<!tpu.dma_semaphore, #tpu.memory_space<semaphore_mem>>)
        %dma_wait3A = arith.constant 0 : i32
        %dma_wait3A_13 = tpu.memref_slice %arg2[%dma_wait3A, %mul3A_4] : memref<800x768xf32, #tpu.memory_space<hbm>> -> memref<800x32xf32, #tpu.memory_space<hbm>>
        %dma_wait3A_14 = arith.constant 0 : i32
        %dma_wait3A_15 = tpu.memref_slice %arg2[%dma_wait3A_14, %mul3A_4] : memref<800x768xf32, #tpu.memory_space<hbm>> -> memref<800x32xf32, #tpu.memory_space<hbm>>
        tpu.wait_dma2 semaphore(%run_scoped3A : memref<!tpu.dma_semaphore, #tpu.memory_space<semaphore_mem>>) src(%dma_wait3A_15 : memref<800x32xf32, #tpu.memory_space<hbm>>) dst(%arg5 : memref<800x32xf32, #tpu.memory_space<vmem>>)
        tpu.yield
      }) : () -> ()
      "tpu.region"() ({
        %run_scoped3A = tpu.sem_alloc : memref<!tpu.dma_semaphore, #tpu.memory_space<semaphore_mem>>
        %dma_start3A = arith.constant 0 : i32
        %dma_start3A_10 = arith.constant 0 : i32
        %dma_start3A_11 = tpu.memref_slice %arg6[%dma_start3A, %dma_start3A_10] : memref<2x216xi32, #tpu.memory_space<vmem>> -> memref<2x200xi32, #tpu.memory_space<vmem>>
        %dma_start3A_12 = arith.constant 0 : i32
        %dma_start3A_13 = arith.constant 0 : i32
        %dma_start3A_14 = tpu.memref_slice %arg3[%dma_start3A_12, %dma_start3A_13] : memref<8x200xi32, #tpu.memory_space<hbm>> -> memref<2x200xi32, #tpu.memory_space<hbm>>
        %dma_start3A_15 = arith.constant 0 : i32
        %dma_start3A_16 = arith.constant 0 : i32
        %dma_start3A_17 = tpu.memref_slice %arg6[%dma_start3A_15, %dma_start3A_16] : memref<2x216xi32, #tpu.memory_space<vmem>> -> memref<2x200xi32, #tpu.memory_space<vmem>>
        %dma_start3A_18 = arith.constant 0 : i32
        %dma_start3A_19 = arith.constant 0 : i32
        %dma_start3A_20 = tpu.memref_slice %arg3[%dma_start3A_18, %dma_start3A_19] : memref<8x200xi32, #tpu.memory_space<hbm>> -> memref<2x200xi32, #tpu.memory_space<hbm>>
        tpu.enqueue_dma source(%dma_start3A_20 : memref<2x200xi32, #tpu.memory_space<hbm>>) target(%dma_start3A_17 : memref<2x200xi32, #tpu.memory_space<vmem>>) target_semaphore(%run_scoped3A : memref<!tpu.dma_semaphore, #tpu.memory_space<semaphore_mem>>)
        %dma_wait3A = arith.constant 0 : i32
        %dma_wait3A_21 = arith.constant 0 : i32
        %dma_wait3A_22 = tpu.memref_slice %arg6[%dma_wait3A, %dma_wait3A_21] : memref<2x216xi32, #tpu.memory_space<vmem>> -> memref<2x200xi32, #tpu.memory_space<vmem>>
        %dma_wait3A_23 = arith.constant 0 : i32
        %dma_wait3A_24 = arith.constant 0 : i32
        %dma_wait3A_25 = tpu.memref_slice %arg3[%dma_wait3A_23, %dma_wait3A_24] : memref<8x200xi32, #tpu.memory_space<hbm>> -> memref<2x200xi32, #tpu.memory_space<hbm>>
        %dma_wait3A_26 = arith.constant 0 : i32
        %dma_wait3A_27 = arith.constant 0 : i32
        %dma_wait3A_28 = tpu.memref_slice %arg6[%dma_wait3A_26, %dma_wait3A_27] : memref<2x216xi32, #tpu.memory_space<vmem>> -> memref<2x200xi32, #tpu.memory_space<vmem>>
        %dma_wait3A_29 = arith.constant 0 : i32
        %dma_wait3A_30 = arith.constant 0 : i32
        %dma_wait3A_31 = tpu.memref_slice %arg3[%dma_wait3A_29, %dma_wait3A_30] : memref<8x200xi32, #tpu.memory_space<hbm>> -> memref<2x200xi32, #tpu.memory_space<hbm>>
        tpu.wait_dma2 semaphore(%run_scoped3A : memref<!tpu.dma_semaphore, #tpu.memory_space<semaphore_mem>>) src(%dma_wait3A_31 : memref<2x200xi32, #tpu.memory_space<hbm>>) dst(%dma_wait3A_28 : memref<2x200xi32, #tpu.memory_space<vmem>>)
        tpu.yield
      }) : () -> ()
      %scan3A = arith.constant 0 : i32
      %scan3A_5 = arith.constant 0 : i32
      %scan3A_6 = arith.constant 200 : i32
      %scan3A_7 = arith.addi %scan3A_5, %scan3A_6 : i32
      %scan3A_8 = arith.constant 1 : i32
      scf.for %scan3A_10 = %scan3A_5 to %scan3A_7 step %scan3A_8  : i32 {
        %get3A = arith.constant 0 : i32
        %get3A_11 = arith.index_cast %get3A : i32 to index
        %get3A_12 = arith.index_cast %scan3A_10 : i32 to index
        %get3A_13 = tpu.vector_load %arg6[%get3A_11, %get3A_12] {strides = array<i32>} : memref<2x216xi32, #tpu.memory_space<vmem>>, vector<1x16xi32>,
        %get3A_14 = vector.shape_cast %get3A_13 : vector<1x16xi32> to vector<16xi32>
        %slice3A = vector.extract_strided_slice %get3A_14 {offsets = [0], sizes = [1], strides = [1]} : vector<16xi32> to vector<1xi32>
        %squeeze3A = vector.extract %slice3A[0] : i32 from vector<1xi32>
        %get3A_15 = arith.constant 1 : i32
        %get3A_16 = arith.index_cast %get3A_15 : i32 to index
        %get3A_17 = arith.index_cast %scan3A_10 : i32 to index
        %get3A_18 = tpu.vector_load %arg6[%get3A_16, %get3A_17] {strides = array<i32>} : memref<2x216xi32, #tpu.memory_space<vmem>>, vector<1x16xi32>,
        %get3A_19 = vector.shape_cast %get3A_18 : vector<1x16xi32> to vector<16xi32>
        %slice3A_20 = vector.extract_strided_slice %get3A_19 {offsets = [0], sizes = [1], strides = [1]} : vector<16xi32> to vector<1xi32>
        %squeeze3A_21 = vector.extract %slice3A_20[0] : i32 from vector<1xi32>
        %get3A_22 = arith.index_cast %squeeze3A : i32 to index
        %get3A_23 = arith.constant 0 : index
        %get3A_24 = tpu.vector_load %arg5[%get3A_22, %get3A_23] {strides = array<i32>} : memref<800x32xf32, #tpu.memory_space<vmem>>, vector<1x16xf32>,
        %get3A_25 = vector.shape_cast %get3A_24 : vector<1x16xf32> to vector<16xf32>
        %get3A_26 = arith.index_cast %squeeze3A : i32 to index
        %get3A_27 = arith.constant 16 : index
        %get3A_28 = tpu.vector_load %arg5[%get3A_26, %get3A_27] {strides = array<i32>} : memref<800x32xf32, #tpu.memory_space<vmem>>, vector<1x16xf32>,
        %get3A_29 = vector.shape_cast %get3A_28 : vector<1x16xf32> to vector<16xf32>
        %get3A_30 = arith.index_cast %squeeze3A_21 : i32 to index
        %get3A_31 = arith.constant 0 : index
        %get3A_32 = tpu.vector_load %arg5[%get3A_30, %get3A_31] {strides = array<i32>} : memref<800x32xf32, #tpu.memory_space<vmem>>, vector<1x16xf32>,
        %get3A_33 = vector.shape_cast %get3A_32 : vector<1x16xf32> to vector<16xf32>
        %get3A_34 = arith.index_cast %squeeze3A_21 : i32 to index
        %get3A_35 = arith.constant 16 : index
        %get3A_36 = tpu.vector_load %arg5[%get3A_34, %get3A_35] {strides = array<i32>} : memref<800x32xf32, #tpu.memory_space<vmem>>, vector<1x16xf32>,
        %get3A_37 = vector.shape_cast %get3A_36 : vector<1x16xf32> to vector<16xf32>
        %mul3A_38 = arith.constant 6.000000e-01 : f32
        %mul3A_39 = vector.broadcast %mul3A_38 : f32 to vector<16xf32>
        %mul3A_40 = arith.mulf %get3A_25, %mul3A_39 : vector<16xf32>
        %mul3A_41 = arith.constant 4.000000e-01 : f32
        %mul3A_42 = vector.broadcast %mul3A_41 : f32 to vector<16xf32>
        %mul3A_43 = arith.mulf %get3A_33, %mul3A_42 : vector<16xf32>
        %add3A_44 = arith.addf %mul3A_40, %mul3A_43 : vector<16xf32>
        %mul3A_45 = arith.constant 6.000000e-01 : f32
        %mul3A_46 = vector.broadcast %mul3A_45 : f32 to vector<16xf32>
        %mul3A_47 = arith.mulf %get3A_29, %mul3A_46 : vector<16xf32>
        %mul3A_48 = arith.constant 4.000000e-01 : f32
        %mul3A_49 = vector.broadcast %mul3A_48 : f32 to vector<16xf32>
        %mul3A_50 = arith.mulf %get3A_37, %mul3A_49 : vector<16xf32>
        %add3A_51 = arith.addf %mul3A_47, %mul3A_50 : vector<16xf32>
        %swap3A = arith.index_cast %squeeze3A : i32 to index
        %swap3A_52 = arith.constant 0 : index
        %swap3A_53 = tpu.vector_load %arg5[%swap3A, %swap3A_52] {strides = array<i32>} : memref<800x32xf32, #tpu.memory_space<vmem>>, vector<1x16xf32>,
        %swap3A_54 = vector.shape_cast %swap3A_53 : vector<1x16xf32> to vector<16xf32>
        %swap3A_55 = vector.shape_cast %add3A_44 : vector<16xf32> to vector<1x16xf32>
        tpu.vector_store %arg5[%swap3A, %swap3A_52], %swap3A_55 {strides = array<i32>} : memref<800x32xf32, #tpu.memory_space<vmem>>, vector<1x16xf32>,
        %swap3A_56 = arith.index_cast %squeeze3A : i32 to index
        %swap3A_57 = arith.constant 16 : index
        %swap3A_58 = tpu.vector_load %arg5[%swap3A_56, %swap3A_57] {strides = array<i32>} : memref<800x32xf32, #tpu.memory_space<vmem>>, vector<1x16xf32>,
        %swap3A_59 = vector.shape_cast %swap3A_58 : vector<1x16xf32> to vector<16xf32>
        %swap3A_60 = vector.shape_cast %add3A_51 : vector<16xf32> to vector<1x16xf32>
        tpu.vector_store %arg5[%swap3A_56, %swap3A_57], %swap3A_60 {strides = array<i32>} : memref<800x32xf32, #tpu.memory_space<vmem>>, vector<1x16xf32>,
        %swap3A_61 = arith.index_cast %squeeze3A_21 : i32 to index
        %swap3A_62 = arith.constant 0 : index
        %swap3A_63 = tpu.vector_load %arg5[%swap3A_61, %swap3A_62] {strides = array<i32>} : memref<800x32xf32, #tpu.memory_space<vmem>>, vector<1x16xf32>,
        %swap3A_64 = vector.shape_cast %swap3A_63 : vector<1x16xf32> to vector<16xf32>
        %swap3A_65 = vector.shape_cast %add3A_44 : vector<16xf32> to vector<1x16xf32>
        tpu.vector_store %arg5[%swap3A_61, %swap3A_62], %swap3A_65 {strides = array<i32>} : memref<800x32xf32, #tpu.memory_space<vmem>>, vector<1x16xf32>,
        %swap3A_66 = arith.index_cast %squeeze3A_21 : i32 to index
        %swap3A_67 = arith.constant 16 : index
        %swap3A_68 = tpu.vector_load %arg5[%swap3A_66, %swap3A_67] {strides = array<i32>} : memref<800x32xf32, #tpu.memory_space<vmem>>, vector<1x16xf32>,
        %swap3A_69 = vector.shape_cast %swap3A_68 : vector<1x16xf32> to vector<16xf32>
        %swap3A_70 = vector.shape_cast %add3A_51 : vector<16xf32> to vector<1x16xf32>
        tpu.vector_store %arg5[%swap3A_66, %swap3A_67], %swap3A_70 {strides = array<i32>} : memref<800x32xf32, #tpu.memory_space<vmem>>, vector<1x16xf32>,
      }
      %scan3A_9 = arith.constant 200 : i32
      "tpu.region"() ({
        %run_scoped3A = tpu.sem_alloc : memref<!tpu.dma_semaphore, #tpu.memory_space<semaphore_mem>>
        %dma_start3A = arith.constant 0 : i32
        %dma_start3A_10 = arith.constant 0 : i32
        %dma_start3A_11 = tpu.memref_slice %arg5[%dma_start3A, %dma_start3A_10] : memref<800x32xf32, #tpu.memory_space<vmem>> -> memref<600x32xf32, #tpu.memory_space<vmem>>
        %dma_start3A_12 = arith.constant 0 : i32
        %dma_start3A_13 = tpu.memref_slice %arg4[%dma_start3A_12, %mul3A_4] : memref<600x768xf32, #tpu.memory_space<hbm>> -> memref<600x32xf32, #tpu.memory_space<hbm>>
        %dma_start3A_14 = arith.constant 0 : i32
        %dma_start3A_15 = tpu.memref_slice %arg4[%dma_start3A_14, %mul3A_4] : memref<600x768xf32, #tpu.memory_space<hbm>> -> memref<600x32xf32, #tpu.memory_space<hbm>>
        %dma_start3A_16 = arith.constant 0 : i32
        %dma_start3A_17 = arith.constant 0 : i32
        %dma_start3A_18 = tpu.memref_slice %arg5[%dma_start3A_16, %dma_start3A_17] : memref<800x32xf32, #tpu.memory_space<vmem>> -> memref<600x32xf32, #tpu.memory_space<vmem>>
        tpu.enqueue_dma source(%dma_start3A_18 : memref<600x32xf32, #tpu.memory_space<vmem>>) target(%dma_start3A_15 : memref<600x32xf32, #tpu.memory_space<hbm>>) target_semaphore(%run_scoped3A : memref<!tpu.dma_semaphore, #tpu.memory_space<semaphore_mem>>)
        %dma_wait3A = arith.constant 0 : i32
        %dma_wait3A_19 = arith.constant 0 : i32
        %dma_wait3A_20 = tpu.memref_slice %arg5[%dma_wait3A, %dma_wait3A_19] : memref<800x32xf32, #tpu.memory_space<vmem>> -> memref<600x32xf32, #tpu.memory_space<vmem>>
        %dma_wait3A_21 = arith.constant 0 : i32
        %dma_wait3A_22 = tpu.memref_slice %arg4[%dma_wait3A_21, %mul3A_4] : memref<600x768xf32, #tpu.memory_space<hbm>> -> memref<600x32xf32, #tpu.memory_space<hbm>>
        %dma_wait3A_23 = arith.constant 0 : i32
        %dma_wait3A_24 = tpu.memref_slice %arg4[%dma_wait3A_23, %mul3A_4] : memref<600x768xf32, #tpu.memory_space<hbm>> -> memref<600x32xf32, #tpu.memory_space<hbm>>
        %dma_wait3A_25 = arith.constant 0 : i32
        %dma_wait3A_26 = arith.constant 0 : i32
        %dma_wait3A_27 = tpu.memref_slice %arg5[%dma_wait3A_25, %dma_wait3A_26] : memref<800x32xf32, #tpu.memory_space<vmem>> -> memref<600x32xf32, #tpu.memory_space<vmem>>
        tpu.wait_dma2 semaphore(%run_scoped3A : memref<!tpu.dma_semaphore, #tpu.memory_space<semaphore_mem>>) src(%dma_wait3A_27 : memref<600x32xf32, #tpu.memory_space<vmem>>) dst(%dma_wait3A_24 : memref<600x32xf32, #tpu.memory_space<hbm>>)
        tpu.yield
      }) : () -> ()
    } else {
    }
    return
  }
}

#map = affine_map<(d0, d1) -> (0, 0)>
module attributes {stable_mosaic.version = 14 : i64} {
  func.func @body(%arg0: i32, %arg1: i32, %arg2: memref<1600x768xf32, #tpu.memory_space<hbm>>, %arg3: memref<8x800xi32, #tpu.memory_space<hbm>>, %arg4: memref<800x768xf32, #tpu.memory_space<hbm>>, %arg5: memref<1600x32xf32, #tpu.memory_space<vmem>>, %arg6: memref<2x816xi32, #tpu.memory_space<vmem>>) attributes {dimension_semantics = [#tpu.dimension_semantics<core_parallel>, #tpu.dimension_semantics<subcore_parallel>], iteration_bounds = array<i64: 2, 16>, scalar_prefetch = 0 : i64, scratch_operands = 2 : i64, tpu.core_type = #tpu.core_type<sc_vector_subcore>, window_params = [{transform_indices = #map}, {transform_indices = #map}, {transform_indices = #map}]} {
    %mul3A = arith.constant 2 : i32
    %mul3A_0 = arith.muli %arg1, %mul3A : i32
    %add3A = arith.addi %mul3A_0, %arg0 : i32
    %lt3A = arith.constant 24 : i32
    %lt3A_1 = arith.cmpi slt, %add3A, %lt3A : i32
    %convert_element_type3A = arith.extui %lt3A_1 : i1 to i32
    %cond3A = arith.constant 0 : i32
    %cond3A_2 = arith.cmpi ne, %convert_element_type3A, %cond3A : i32
    scf.if %cond3A_2 {
      %mul3A_3 = arith.constant 32 : i32
      %mul3A_4 = arith.muli %add3A, %mul3A_3 : i32
      "tpu.region"() ({
        %run_scoped3A = tpu.sem_alloc : memref<!tpu.dma_semaphore, #tpu.memory_space<semaphore_mem>>
        %dma_start3A = arith.constant 0 : i32
        %dma_start3A_10 = tpu.memref_slice %arg2[%dma_start3A, %mul3A_4] : memref<1600x768xf32, #tpu.memory_space<hbm>> -> memref<1600x32xf32, #tpu.memory_space<hbm>>
        %dma_start3A_11 = arith.constant 0 : i32
        %dma_start3A_12 = tpu.memref_slice %arg2[%dma_start3A_11, %mul3A_4] : memref<1600x768xf32, #tpu.memory_space<hbm>> -> memref<1600x32xf32, #tpu.memory_space<hbm>>
        tpu.enqueue_dma source(%dma_start3A_12 : memref<1600x32xf32, #tpu.memory_space<hbm>>) target(%arg5 : memref<1600x32xf32, #tpu.memory_space<vmem>>) target_semaphore(%run_scoped3A : memref<!tpu.dma_semaphore, #tpu.memory_space<semaphore_mem>>)
        %dma_wait3A = arith.constant 0 : i32
        %dma_wait3A_13 = tpu.memref_slice %arg2[%dma_wait3A, %mul3A_4] : memref<1600x768xf32, #tpu.memory_space<hbm>> -> memref<1600x32xf32, #tpu.memory_space<hbm>>
        %dma_wait3A_14 = arith.constant 0 : i32
        %dma_wait3A_15 = tpu.memref_slice %arg2[%dma_wait3A_14, %mul3A_4] : memref<1600x768xf32, #tpu.memory_space<hbm>> -> memref<1600x32xf32, #tpu.memory_space<hbm>>
        tpu.wait_dma2 semaphore(%run_scoped3A : memref<!tpu.dma_semaphore, #tpu.memory_space<semaphore_mem>>) src(%dma_wait3A_15 : memref<1600x32xf32, #tpu.memory_space<hbm>>) dst(%arg5 : memref<1600x32xf32, #tpu.memory_space<vmem>>)
        tpu.yield
      }) : () -> ()
      "tpu.region"() ({
        %run_scoped3A = tpu.sem_alloc : memref<!tpu.dma_semaphore, #tpu.memory_space<semaphore_mem>>
        %dma_start3A = arith.constant 0 : i32
        %dma_start3A_10 = arith.constant 0 : i32
        %dma_start3A_11 = tpu.memref_slice %arg6[%dma_start3A, %dma_start3A_10] : memref<2x816xi32, #tpu.memory_space<vmem>> -> memref<2x800xi32, #tpu.memory_space<vmem>>
        %dma_start3A_12 = arith.constant 0 : i32
        %dma_start3A_13 = arith.constant 0 : i32
        %dma_start3A_14 = tpu.memref_slice %arg3[%dma_start3A_12, %dma_start3A_13] : memref<8x800xi32, #tpu.memory_space<hbm>> -> memref<2x800xi32, #tpu.memory_space<hbm>>
        %dma_start3A_15 = arith.constant 0 : i32
        %dma_start3A_16 = arith.constant 0 : i32
        %dma_start3A_17 = tpu.memref_slice %arg6[%dma_start3A_15, %dma_start3A_16] : memref<2x816xi32, #tpu.memory_space<vmem>> -> memref<2x800xi32, #tpu.memory_space<vmem>>
        %dma_start3A_18 = arith.constant 0 : i32
        %dma_start3A_19 = arith.constant 0 : i32
        %dma_start3A_20 = tpu.memref_slice %arg3[%dma_start3A_18, %dma_start3A_19] : memref<8x800xi32, #tpu.memory_space<hbm>> -> memref<2x800xi32, #tpu.memory_space<hbm>>
        tpu.enqueue_dma source(%dma_start3A_20 : memref<2x800xi32, #tpu.memory_space<hbm>>) target(%dma_start3A_17 : memref<2x800xi32, #tpu.memory_space<vmem>>) target_semaphore(%run_scoped3A : memref<!tpu.dma_semaphore, #tpu.memory_space<semaphore_mem>>)
        %dma_wait3A = arith.constant 0 : i32
        %dma_wait3A_21 = arith.constant 0 : i32
        %dma_wait3A_22 = tpu.memref_slice %arg6[%dma_wait3A, %dma_wait3A_21] : memref<2x816xi32, #tpu.memory_space<vmem>> -> memref<2x800xi32, #tpu.memory_space<vmem>>
        %dma_wait3A_23 = arith.constant 0 : i32
        %dma_wait3A_24 = arith.constant 0 : i32
        %dma_wait3A_25 = tpu.memref_slice %arg3[%dma_wait3A_23, %dma_wait3A_24] : memref<8x800xi32, #tpu.memory_space<hbm>> -> memref<2x800xi32, #tpu.memory_space<hbm>>
        %dma_wait3A_26 = arith.constant 0 : i32
        %dma_wait3A_27 = arith.constant 0 : i32
        %dma_wait3A_28 = tpu.memref_slice %arg6[%dma_wait3A_26, %dma_wait3A_27] : memref<2x816xi32, #tpu.memory_space<vmem>> -> memref<2x800xi32, #tpu.memory_space<vmem>>
        %dma_wait3A_29 = arith.constant 0 : i32
        %dma_wait3A_30 = arith.constant 0 : i32
        %dma_wait3A_31 = tpu.memref_slice %arg3[%dma_wait3A_29, %dma_wait3A_30] : memref<8x800xi32, #tpu.memory_space<hbm>> -> memref<2x800xi32, #tpu.memory_space<hbm>>
        tpu.wait_dma2 semaphore(%run_scoped3A : memref<!tpu.dma_semaphore, #tpu.memory_space<semaphore_mem>>) src(%dma_wait3A_31 : memref<2x800xi32, #tpu.memory_space<hbm>>) dst(%dma_wait3A_28 : memref<2x800xi32, #tpu.memory_space<vmem>>)
        tpu.yield
      }) : () -> ()
      %scan3A = arith.constant 0 : i32
      %scan3A_5 = arith.constant 0 : i32
      %scan3A_6 = arith.constant 800 : i32
      %scan3A_7 = arith.addi %scan3A_5, %scan3A_6 : i32
      %scan3A_8 = arith.constant 1 : i32
      scf.for %scan3A_10 = %scan3A_5 to %scan3A_7 step %scan3A_8  : i32 {
        %get3A = arith.constant 0 : i32
        %get3A_11 = arith.index_cast %get3A : i32 to index
        %get3A_12 = arith.index_cast %scan3A_10 : i32 to index
        %get3A_13 = tpu.vector_load %arg6[%get3A_11, %get3A_12] {strides = array<i32>} : memref<2x816xi32, #tpu.memory_space<vmem>>, vector<1x16xi32>,
        %get3A_14 = vector.shape_cast %get3A_13 : vector<1x16xi32> to vector<16xi32>
        %slice3A = vector.extract_strided_slice %get3A_14 {offsets = [0], sizes = [1], strides = [1]} : vector<16xi32> to vector<1xi32>
        %squeeze3A = vector.extract %slice3A[0] : i32 from vector<1xi32>
        %get3A_15 = arith.constant 1 : i32
        %get3A_16 = arith.index_cast %get3A_15 : i32 to index
        %get3A_17 = arith.index_cast %scan3A_10 : i32 to index
        %get3A_18 = tpu.vector_load %arg6[%get3A_16, %get3A_17] {strides = array<i32>} : memref<2x816xi32, #tpu.memory_space<vmem>>, vector<1x16xi32>,
        %get3A_19 = vector.shape_cast %get3A_18 : vector<1x16xi32> to vector<16xi32>
        %slice3A_20 = vector.extract_strided_slice %get3A_19 {offsets = [0], sizes = [1], strides = [1]} : vector<16xi32> to vector<1xi32>
        %squeeze3A_21 = vector.extract %slice3A_20[0] : i32 from vector<1xi32>
        %get3A_22 = arith.index_cast %squeeze3A : i32 to index
        %get3A_23 = arith.constant 0 : index
        %get3A_24 = tpu.vector_load %arg5[%get3A_22, %get3A_23] {strides = array<i32>} : memref<1600x32xf32, #tpu.memory_space<vmem>>, vector<1x16xf32>,
        %get3A_25 = vector.shape_cast %get3A_24 : vector<1x16xf32> to vector<16xf32>
        %get3A_26 = arith.index_cast %squeeze3A : i32 to index
        %get3A_27 = arith.constant 16 : index
        %get3A_28 = tpu.vector_load %arg5[%get3A_26, %get3A_27] {strides = array<i32>} : memref<1600x32xf32, #tpu.memory_space<vmem>>, vector<1x16xf32>,
        %get3A_29 = vector.shape_cast %get3A_28 : vector<1x16xf32> to vector<16xf32>
        %get3A_30 = arith.index_cast %squeeze3A_21 : i32 to index
        %get3A_31 = arith.constant 0 : index
        %get3A_32 = tpu.vector_load %arg5[%get3A_30, %get3A_31] {strides = array<i32>} : memref<1600x32xf32, #tpu.memory_space<vmem>>, vector<1x16xf32>,
        %get3A_33 = vector.shape_cast %get3A_32 : vector<1x16xf32> to vector<16xf32>
        %get3A_34 = arith.index_cast %squeeze3A_21 : i32 to index
        %get3A_35 = arith.constant 16 : index
        %get3A_36 = tpu.vector_load %arg5[%get3A_34, %get3A_35] {strides = array<i32>} : memref<1600x32xf32, #tpu.memory_space<vmem>>, vector<1x16xf32>,
        %get3A_37 = vector.shape_cast %get3A_36 : vector<1x16xf32> to vector<16xf32>
        %mul3A_38 = arith.constant 5.000000e-01 : f32
        %mul3A_39 = vector.broadcast %mul3A_38 : f32 to vector<16xf32>
        %mul3A_40 = arith.mulf %get3A_25, %mul3A_39 : vector<16xf32>
        %mul3A_41 = arith.constant 5.000000e-01 : f32
        %mul3A_42 = vector.broadcast %mul3A_41 : f32 to vector<16xf32>
        %mul3A_43 = arith.mulf %get3A_33, %mul3A_42 : vector<16xf32>
        %add3A_44 = arith.addf %mul3A_40, %mul3A_43 : vector<16xf32>
        %mul3A_45 = arith.constant 5.000000e-01 : f32
        %mul3A_46 = vector.broadcast %mul3A_45 : f32 to vector<16xf32>
        %mul3A_47 = arith.mulf %get3A_29, %mul3A_46 : vector<16xf32>
        %mul3A_48 = arith.constant 5.000000e-01 : f32
        %mul3A_49 = vector.broadcast %mul3A_48 : f32 to vector<16xf32>
        %mul3A_50 = arith.mulf %get3A_37, %mul3A_49 : vector<16xf32>
        %add3A_51 = arith.addf %mul3A_47, %mul3A_50 : vector<16xf32>
        %swap3A = arith.index_cast %squeeze3A : i32 to index
        %swap3A_52 = arith.constant 0 : index
        %swap3A_53 = tpu.vector_load %arg5[%swap3A, %swap3A_52] {strides = array<i32>} : memref<1600x32xf32, #tpu.memory_space<vmem>>, vector<1x16xf32>,
        %swap3A_54 = vector.shape_cast %swap3A_53 : vector<1x16xf32> to vector<16xf32>
        %swap3A_55 = vector.shape_cast %add3A_44 : vector<16xf32> to vector<1x16xf32>
        tpu.vector_store %arg5[%swap3A, %swap3A_52], %swap3A_55 {strides = array<i32>} : memref<1600x32xf32, #tpu.memory_space<vmem>>, vector<1x16xf32>,
        %swap3A_56 = arith.index_cast %squeeze3A : i32 to index
        %swap3A_57 = arith.constant 16 : index
        %swap3A_58 = tpu.vector_load %arg5[%swap3A_56, %swap3A_57] {strides = array<i32>} : memref<1600x32xf32, #tpu.memory_space<vmem>>, vector<1x16xf32>,
        %swap3A_59 = vector.shape_cast %swap3A_58 : vector<1x16xf32> to vector<16xf32>
        %swap3A_60 = vector.shape_cast %add3A_51 : vector<16xf32> to vector<1x16xf32>
        tpu.vector_store %arg5[%swap3A_56, %swap3A_57], %swap3A_60 {strides = array<i32>} : memref<1600x32xf32, #tpu.memory_space<vmem>>, vector<1x16xf32>,
        %swap3A_61 = arith.index_cast %squeeze3A_21 : i32 to index
        %swap3A_62 = arith.constant 0 : index
        %swap3A_63 = tpu.vector_load %arg5[%swap3A_61, %swap3A_62] {strides = array<i32>} : memref<1600x32xf32, #tpu.memory_space<vmem>>, vector<1x16xf32>,
        %swap3A_64 = vector.shape_cast %swap3A_63 : vector<1x16xf32> to vector<16xf32>
        %swap3A_65 = vector.shape_cast %add3A_44 : vector<16xf32> to vector<1x16xf32>
        tpu.vector_store %arg5[%swap3A_61, %swap3A_62], %swap3A_65 {strides = array<i32>} : memref<1600x32xf32, #tpu.memory_space<vmem>>, vector<1x16xf32>,
        %swap3A_66 = arith.index_cast %squeeze3A_21 : i32 to index
        %swap3A_67 = arith.constant 16 : index
        %swap3A_68 = tpu.vector_load %arg5[%swap3A_66, %swap3A_67] {strides = array<i32>} : memref<1600x32xf32, #tpu.memory_space<vmem>>, vector<1x16xf32>,
        %swap3A_69 = vector.shape_cast %swap3A_68 : vector<1x16xf32> to vector<16xf32>
        %swap3A_70 = vector.shape_cast %add3A_51 : vector<16xf32> to vector<1x16xf32>
        tpu.vector_store %arg5[%swap3A_66, %swap3A_67], %swap3A_70 {strides = array<i32>} : memref<1600x32xf32, #tpu.memory_space<vmem>>, vector<1x16xf32>,
      }
      %scan3A_9 = arith.constant 800 : i32
      "tpu.region"() ({
        %run_scoped3A = tpu.sem_alloc : memref<!tpu.dma_semaphore, #tpu.memory_space<semaphore_mem>>
        %dma_start3A = arith.constant 0 : i32
        %dma_start3A_10 = arith.constant 0 : i32
        %dma_start3A_11 = tpu.memref_slice %arg5[%dma_start3A, %dma_start3A_10] : memref<1600x32xf32, #tpu.memory_space<vmem>> -> memref<800x32xf32, #tpu.memory_space<vmem>>
        %dma_start3A_12 = arith.constant 0 : i32
        %dma_start3A_13 = tpu.memref_slice %arg4[%dma_start3A_12, %mul3A_4] : memref<800x768xf32, #tpu.memory_space<hbm>> -> memref<800x32xf32, #tpu.memory_space<hbm>>
        %dma_start3A_14 = arith.constant 0 : i32
        %dma_start3A_15 = tpu.memref_slice %arg4[%dma_start3A_14, %mul3A_4] : memref<800x768xf32, #tpu.memory_space<hbm>> -> memref<800x32xf32, #tpu.memory_space<hbm>>
        %dma_start3A_16 = arith.constant 0 : i32
        %dma_start3A_17 = arith.constant 0 : i32
        %dma_start3A_18 = tpu.memref_slice %arg5[%dma_start3A_16, %dma_start3A_17] : memref<1600x32xf32, #tpu.memory_space<vmem>> -> memref<800x32xf32, #tpu.memory_space<vmem>>
        tpu.enqueue_dma source(%dma_start3A_18 : memref<800x32xf32, #tpu.memory_space<vmem>>) target(%dma_start3A_15 : memref<800x32xf32, #tpu.memory_space<hbm>>) target_semaphore(%run_scoped3A : memref<!tpu.dma_semaphore, #tpu.memory_space<semaphore_mem>>)
        %dma_wait3A = arith.constant 0 : i32
        %dma_wait3A_19 = arith.constant 0 : i32
        %dma_wait3A_20 = tpu.memref_slice %arg5[%dma_wait3A, %dma_wait3A_19] : memref<1600x32xf32, #tpu.memory_space<vmem>> -> memref<800x32xf32, #tpu.memory_space<vmem>>
        %dma_wait3A_21 = arith.constant 0 : i32
        %dma_wait3A_22 = tpu.memref_slice %arg4[%dma_wait3A_21, %mul3A_4] : memref<800x768xf32, #tpu.memory_space<hbm>> -> memref<800x32xf32, #tpu.memory_space<hbm>>
        %dma_wait3A_23 = arith.constant 0 : i32
        %dma_wait3A_24 = tpu.memref_slice %arg4[%dma_wait3A_23, %mul3A_4] : memref<800x768xf32, #tpu.memory_space<hbm>> -> memref<800x32xf32, #tpu.memory_space<hbm>>
        %dma_wait3A_25 = arith.constant 0 : i32
        %dma_wait3A_26 = arith.constant 0 : i32
        %dma_wait3A_27 = tpu.memref_slice %arg5[%dma_wait3A_25, %dma_wait3A_26] : memref<1600x32xf32, #tpu.memory_space<vmem>> -> memref<800x32xf32, #tpu.memory_space<vmem>>
        tpu.wait_dma2 semaphore(%run_scoped3A : memref<!tpu.dma_semaphore, #tpu.memory_space<semaphore_mem>>) src(%dma_wait3A_27 : memref<800x32xf32, #tpu.memory_space<vmem>>) dst(%dma_wait3A_24 : memref<800x32xf32, #tpu.memory_space<hbm>>)
        tpu.yield
      }) : () -> ()
    } else {
    }
    return
  }
}

module attributes {stable_mosaic.version = 14 : i64} {
  func.func @_top2_kernel(%arg0: i32, %arg1: memref<128x768xf32, #tpu.memory_space<vmem>>, %arg2: memref<3200x768xf32, #tpu.memory_space<vmem>>, %arg3: memref<8x128xi32, #tpu.memory_space<vmem>>) attributes {dimension_semantics = [#tpu.dimension_semantics<arbitrary>], iteration_bounds = array<i64: 13>, scalar_prefetch = 0 : i64, scratch_operands = 0 : i64, tpu.core_type = #tpu.core_type<tc>, window_params = [{transform_indices = @transform_0, window_bounds = array<i64: 128, 768>}, {pipeline_mode = #tpu.pipeline_mode<synchronous>, transform_indices = @transform_1, window_bounds = array<i64: 3200, 768>}, {transform_indices = @transform_2, window_bounds = array<i64: 8, 128>}]} {
    %get3A = arith.constant 0 : index
    %get3A_0 = arith.constant 0 : index
    %get3A_1 = vector.load %arg2[%get3A, %get3A_0] : memref<3200x768xf32, #tpu.memory_space<vmem>>, vector<3200x768xf32>
    %mul3A = arith.mulf %get3A_1, %get3A_1 : vector<3200x768xf32>
    %reduce_sum3A = arith.constant dense<0.000000e+00> : vector<3200xf32>
    %reduce_sum3A_2 = vector.multi_reduction <add>, %mul3A, %reduce_sum3A [1] : vector<3200x768xf32> to vector<3200xf32>
    %sqrt3A = math.sqrt %reduce_sum3A_2 : vector<3200xf32>
    %get3A_3 = arith.constant 0 : index
    %get3A_4 = arith.constant 0 : index
    %get3A_5 = vector.load %arg1[%get3A_3, %get3A_4] : memref<128x768xf32, #tpu.memory_space<vmem>>, vector<128x768xf32>
    %mul3A_6 = arith.mulf %get3A_5, %get3A_5 : vector<128x768xf32>
    %reduce_sum3A_7 = arith.constant dense<0.000000e+00> : vector<128xf32>
    %reduce_sum3A_8 = vector.multi_reduction <add>, %mul3A_6, %reduce_sum3A_7 [1] : vector<128x768xf32> to vector<128xf32>
    %sqrt3A_9 = math.sqrt %reduce_sum3A_8 : vector<128xf32>
    %dot_general3A = arith.constant dense<0.000000e+00> : vector<128x3200xf32>
    %dot_general3A_10 = tpu.matmul %get3A_5, %get3A_1, %dot_general3A {dimension_numbers = #tpu.dot_dimension_numbers<[1], [1], [0], [0], [0, 0, 1, 0], [], []>, transpose_lhs_hint = false} : vector<128x768xf32>, vector<3200x768xf32>, vector<128x3200xf32> -> vector<128x3200xf32>
    %broadcast_in_dim3A = vector.shape_cast %sqrt3A_9 : vector<128xf32> to vector<128x1xf32>
    %broadcast_in_dim3A_11 = vector.shape_cast %sqrt3A : vector<3200xf32> to vector<1x3200xf32>
    %mul3A_12 = vector.broadcast %broadcast_in_dim3A : vector<128x1xf32> to vector<128x3200xf32>
    %mul3A_13 = vector.broadcast %broadcast_in_dim3A_11 : vector<1x3200xf32> to vector<128x3200xf32>
    %mul3A_14 = arith.mulf %mul3A_12, %mul3A_13 : vector<128x3200xf32>
    %max3A = arith.constant 9.99999993E-9 : f32
    %max3A_15 = vector.broadcast %max3A : f32 to vector<128x3200xf32>
    %max3A_16 = arith.maximumf %mul3A_14, %max3A_15 : vector<128x3200xf32>
    %div3A = arith.divf %dot_general3A_10, %max3A_16 : vector<128x3200xf32>
    %iota3A = tpu.iota {dimensions = array<i32: 1>} : vector<128x3200xi32>
    %reduce_max3A = arith.constant dense<0xFF800000> : vector<128xf32>
    %reduce_max3A_17 = vector.multi_reduction <maximumf>, %div3A, %reduce_max3A [1] : vector<128x3200xf32> to vector<128xf32>
    %broadcast_in_dim3A_18 = vector.shape_cast %reduce_max3A_17 : vector<128xf32> to vector<128x1xf32>
    %eq3A = vector.broadcast %broadcast_in_dim3A_18 : vector<128x1xf32> to vector<128x3200xf32>
    %eq3A_19 = arith.cmpf oeq, %div3A, %eq3A : vector<128x3200xf32>
    %jit3A = arith.constant 3201 : i32
    %broadcast_in_dim3A_20 = vector.broadcast %jit3A : i32 to vector<128x3200xi32>
    %select_n3A = arith.select %eq3A_19, %iota3A, %broadcast_in_dim3A_20 : vector<128x3200xi1>, vector<128x3200xi32>
    %reduce_min3A = arith.constant dense<2147483647> : vector<128xi32>
    %reduce_min3A_21 = vector.multi_reduction <minsi>, %select_n3A, %reduce_min3A [1] : vector<128x3200xi32> to vector<128xi32>
    %broadcast_in_dim3A_22 = vector.shape_cast %reduce_min3A_21 : vector<128xi32> to vector<128x1xi32>
    %eq3A_23 = vector.broadcast %broadcast_in_dim3A_22 : vector<128x1xi32> to vector<128x3200xi32>
    %eq3A_24 = arith.cmpi eq, %iota3A, %eq3A_23 : vector<128x3200xi32>
    %jit3A_25 = arith.constant 0xFF800000 : f32
    %broadcast_in_dim3A_26 = vector.broadcast %jit3A_25 : f32 to vector<128x3200xf32>
    %select_n3A_27 = arith.select %eq3A_24, %broadcast_in_dim3A_26, %div3A : vector<128x3200xi1>, vector<128x3200xf32>
    %reduce_max3A_28 = arith.constant dense<0xFF800000> : vector<128xf32>
    %reduce_max3A_29 = vector.multi_reduction <maximumf>, %select_n3A_27, %reduce_max3A_28 [1] : vector<128x3200xf32> to vector<128xf32>
    %broadcast_in_dim3A_30 = vector.shape_cast %reduce_max3A_29 : vector<128xf32> to vector<128x1xf32>
    %eq3A_31 = vector.broadcast %broadcast_in_dim3A_30 : vector<128x1xf32> to vector<128x3200xf32>
    %eq3A_32 = arith.cmpf oeq, %select_n3A_27, %eq3A_31 : vector<128x3200xf32>
    %jit3A_33 = arith.constant 3201 : i32
    %broadcast_in_dim3A_34 = vector.broadcast %jit3A_33 : i32 to vector<128x3200xi32>
    %select_n3A_35 = arith.select %eq3A_32, %iota3A, %broadcast_in_dim3A_34 : vector<128x3200xi1>, vector<128x3200xi32>
    %reduce_min3A_36 = arith.constant dense<2147483647> : vector<128xi32>
    %reduce_min3A_37 = vector.multi_reduction <minsi>, %select_n3A_35, %reduce_min3A_36 [1] : vector<128x3200xi32> to vector<128xi32>
    %iota3A_38 = tpu.iota {dimensions = array<i32: 0>} : vector<8x128xi32>
    %eq3A_39 = arith.constant 0 : i32
    %eq3A_40 = vector.broadcast %eq3A_39 : i32 to vector<8x128xi32>
    %eq3A_41 = arith.cmpi eq, %iota3A_38, %eq3A_40 : vector<8x128xi32>
    %broadcast_in_dim3A_42 = vector.shape_cast %reduce_min3A_21 : vector<128xi32> to vector<1x128xi32>
    %eq3A_43 = arith.constant 1 : i32
    %eq3A_44 = vector.broadcast %eq3A_43 : i32 to vector<8x128xi32>
    %eq3A_45 = arith.cmpi eq, %iota3A_38, %eq3A_44 : vector<8x128xi32>
    %broadcast_in_dim3A_46 = vector.shape_cast %reduce_min3A_37 : vector<128xi32> to vector<1x128xi32>
    %jit3A_47 = arith.constant 0 : i32
    %broadcast_in_dim3A_48 = vector.shape_cast %broadcast_in_dim3A_46 : vector<1x128xi32> to vector<1x128xi32>
    %broadcast_in_dim3A_49 = vector.broadcast %broadcast_in_dim3A_48 : vector<1x128xi32> to vector<8x128xi32>
    %broadcast_in_dim3A_50 = vector.broadcast %jit3A_47 : i32 to vector<8x128xi32>
    %select_n3A_51 = arith.select %eq3A_45, %broadcast_in_dim3A_49, %broadcast_in_dim3A_50 : vector<8x128xi1>, vector<8x128xi32>
    %broadcast_in_dim3A_52 = vector.shape_cast %broadcast_in_dim3A_42 : vector<1x128xi32> to vector<1x128xi32>
    %broadcast_in_dim3A_53 = vector.broadcast %broadcast_in_dim3A_52 : vector<1x128xi32> to vector<8x128xi32>
    %select_n3A_54 = arith.select %eq3A_41, %broadcast_in_dim3A_53, %select_n3A_51 : vector<8x128xi1>, vector<8x128xi32>
    %swap3A = arith.constant 0 : index
    %swap3A_55 = arith.constant 0 : index
    %swap3A_56 = vector.load %arg3[%swap3A, %swap3A_55] : memref<8x128xi32, #tpu.memory_space<vmem>>, vector<8x128xi32>
    tpu.vector_store %arg3[%swap3A, %swap3A_55], %select_n3A_54 {strides = array<i32>} : memref<8x128xi32, #tpu.memory_space<vmem>>, vector<8x128xi32>,
    return
  }
  func.func @transform_0(%arg0: i32) -> (i32, i32) {
    %c0_i32 = arith.constant 0 : i32
    %c0_i32_0 = arith.constant 0 : i32
    return %arg0, %c0_i32 : i32, i32
  }
  func.func @transform_1(%arg0: i32) -> (i32, i32) {
    %c0_i32 = arith.constant 0 : i32
    %c0_i32_0 = arith.constant 0 : i32
    %c0_i32_1 = arith.constant 0 : i32
    return %c0_i32, %c0_i32_0 : i32, i32
  }
  func.func @transform_2(%arg0: i32) -> (i32, i32) {
    %c0_i32 = arith.constant 0 : i32
    %c0_i32_0 = arith.constant 0 : i32
    return %c0_i32, %arg0 : i32, i32
  }
}

module attributes {stable_mosaic.version = 14 : i64} {
  func.func @_hash_kernel(%arg0: memref<1600x768xf32, #tpu.memory_space<vmem>>, %arg1: memref<8x1600xi32, #tpu.memory_space<vmem>>) attributes {dimension_semantics = [], scalar_prefetch = 0 : i64, scratch_operands = 0 : i64, tpu.core_type = #tpu.core_type<tc>} {
    %get3A = arith.constant 0 : index
    %get3A_0 = arith.constant 0 : index
    %get3A_1 = vector.load %arg0[%get3A, %get3A_0] : memref<1600x768xf32, #tpu.memory_space<vmem>>, vector<1600x768xf32>
    %bitcast_convert_type3A = tpu.bitcast %get3A_1 : vector<1600x768xf32> -> vector<1600x768xi32>
    %iota3A = tpu.iota {dimensions = array<i32: 1>} : vector<1600x768xi32>
    %mul3A = arith.constant 2 : i32
    %mul3A_2 = vector.broadcast %mul3A : i32 to vector<1600x768xi32>
    %mul3A_3 = arith.muli %iota3A, %mul3A_2 : vector<1600x768xi32>
    %add3A = arith.constant 1 : i32
    %add3A_4 = vector.broadcast %add3A : i32 to vector<1600x768xi32>
    %add3A_5 = arith.addi %mul3A_3, %add3A_4 : vector<1600x768xi32>
    %add3A_6 = arith.constant 7 : i32
    %add3A_7 = vector.broadcast %add3A_6 : i32 to vector<1600x768xi32>
    %add3A_8 = arith.addi %iota3A, %add3A_7 : vector<1600x768xi32>
    %mul3A_9 = arith.constant -1640531527 : i32
    %mul3A_10 = vector.broadcast %mul3A_9 : i32 to vector<1600x768xi32>
    %mul3A_11 = arith.muli %add3A_8, %mul3A_10 : vector<1600x768xi32>
    %mul3A_12 = arith.constant 2 : i32
    %mul3A_13 = vector.broadcast %mul3A_12 : i32 to vector<1600x768xi32>
    %mul3A_14 = arith.muli %mul3A_11, %mul3A_13 : vector<1600x768xi32>
    %add3A_15 = arith.constant 1 : i32
    %add3A_16 = vector.broadcast %add3A_15 : i32 to vector<1600x768xi32>
    %add3A_17 = arith.addi %mul3A_14, %add3A_16 : vector<1600x768xi32>
    %mul3A_18 = arith.muli %bitcast_convert_type3A, %add3A_5 : vector<1600x768xi32>
    %reduce_sum3A = arith.constant dense<0> : vector<1600xi32>
    %reduce_sum3A_19 = vector.multi_reduction <add>, %mul3A_18, %reduce_sum3A [1] : vector<1600x768xi32> to vector<1600xi32>
    %mul3A_20 = arith.muli %bitcast_convert_type3A, %add3A_17 : vector<1600x768xi32>
    %shift_right_arithmetic3A = arith.constant 7 : i32
    %shift_right_arithmetic3A_21 = vector.broadcast %shift_right_arithmetic3A : i32 to vector<1600x768xi32>
    %shift_right_arithmetic3A_22 = arith.shrsi %bitcast_convert_type3A, %shift_right_arithmetic3A_21 : vector<1600x768xi32>
    %add3A_23 = arith.addi %mul3A_20, %shift_right_arithmetic3A_22 : vector<1600x768xi32>
    %reduce_sum3A_24 = arith.constant dense<0> : vector<1600xi32>
    %reduce_sum3A_25 = vector.multi_reduction <add>, %add3A_23, %reduce_sum3A_24 [1] : vector<1600x768xi32> to vector<1600xi32>
    %iota3A_26 = tpu.iota {dimensions = array<i32: 0>} : vector<8x1600xi32>
    %eq3A = arith.constant 0 : i32
    %eq3A_27 = vector.broadcast %eq3A : i32 to vector<8x1600xi32>
    %eq3A_28 = arith.cmpi eq, %iota3A_26, %eq3A_27 : vector<8x1600xi32>
    %broadcast_in_dim3A = vector.shape_cast %reduce_sum3A_19 : vector<1600xi32> to vector<1x1600xi32>
    %eq3A_29 = arith.constant 1 : i32
    %eq3A_30 = vector.broadcast %eq3A_29 : i32 to vector<8x1600xi32>
    %eq3A_31 = arith.cmpi eq, %iota3A_26, %eq3A_30 : vector<8x1600xi32>
    %broadcast_in_dim3A_32 = vector.shape_cast %reduce_sum3A_25 : vector<1600xi32> to vector<1x1600xi32>
    %jit3A = arith.constant 0 : i32
    %broadcast_in_dim3A_33 = vector.shape_cast %broadcast_in_dim3A_32 : vector<1x1600xi32> to vector<1x1600xi32>
    %broadcast_in_dim3A_34 = vector.broadcast %broadcast_in_dim3A_33 : vector<1x1600xi32> to vector<8x1600xi32>
    %broadcast_in_dim3A_35 = vector.broadcast %jit3A : i32 to vector<8x1600xi32>
    %select_n3A = arith.select %eq3A_31, %broadcast_in_dim3A_34, %broadcast_in_dim3A_35 : vector<8x1600xi1>, vector<8x1600xi32>
    %broadcast_in_dim3A_36 = vector.shape_cast %broadcast_in_dim3A : vector<1x1600xi32> to vector<1x1600xi32>
    %broadcast_in_dim3A_37 = vector.broadcast %broadcast_in_dim3A_36 : vector<1x1600xi32> to vector<8x1600xi32>
    %select_n3A_38 = arith.select %eq3A_28, %broadcast_in_dim3A_37, %select_n3A : vector<8x1600xi1>, vector<8x1600xi32>
    %swap3A = arith.constant 0 : index
    %swap3A_39 = arith.constant 0 : index
    %swap3A_40 = vector.load %arg1[%swap3A, %swap3A_39] : memref<8x1600xi32, #tpu.memory_space<vmem>>, vector<8x1600xi32>
    tpu.vector_store %arg1[%swap3A, %swap3A_39], %select_n3A_38 {strides = array<i32>} : memref<8x1600xi32, #tpu.memory_space<vmem>>, vector<8x1600xi32>,
    return
  }
}

module attributes {stable_mosaic.version = 14 : i64} {
  func.func @_sim_kernel(%arg0: i32, %arg1: memref<128x768xf32, #tpu.memory_space<vmem>>, %arg2: memref<1600x768xf32, #tpu.memory_space<vmem>>, %arg3: memref<128x1600xf32, #tpu.memory_space<vmem>>) attributes {dimension_semantics = [#tpu.dimension_semantics<arbitrary>], iteration_bounds = array<i64: 7>, scalar_prefetch = 0 : i64, scratch_operands = 0 : i64, tpu.core_type = #tpu.core_type<tc>, window_params = [{transform_indices = @transform_0, window_bounds = array<i64: 128, 768>}, {pipeline_mode = #tpu.pipeline_mode<synchronous>, transform_indices = @transform_1, window_bounds = array<i64: 1600, 768>}, {transform_indices = @transform_2, window_bounds = array<i64: 128, 1600>}]} {
    %get3A = arith.constant 0 : index
    %get3A_0 = arith.constant 0 : index
    %get3A_1 = vector.load %arg2[%get3A, %get3A_0] : memref<1600x768xf32, #tpu.memory_space<vmem>>, vector<1600x768xf32>
    %mul3A = arith.mulf %get3A_1, %get3A_1 : vector<1600x768xf32>
    %reduce_sum3A = arith.constant dense<0.000000e+00> : vector<1600xf32>
    %reduce_sum3A_2 = vector.multi_reduction <add>, %mul3A, %reduce_sum3A [1] : vector<1600x768xf32> to vector<1600xf32>
    %sqrt3A = math.sqrt %reduce_sum3A_2 : vector<1600xf32>
    %get3A_3 = arith.constant 0 : index
    %get3A_4 = arith.constant 0 : index
    %get3A_5 = vector.load %arg1[%get3A_3, %get3A_4] : memref<128x768xf32, #tpu.memory_space<vmem>>, vector<128x768xf32>
    %mul3A_6 = arith.mulf %get3A_5, %get3A_5 : vector<128x768xf32>
    %reduce_sum3A_7 = arith.constant dense<0.000000e+00> : vector<128xf32>
    %reduce_sum3A_8 = vector.multi_reduction <add>, %mul3A_6, %reduce_sum3A_7 [1] : vector<128x768xf32> to vector<128xf32>
    %sqrt3A_9 = math.sqrt %reduce_sum3A_8 : vector<128xf32>
    %dot_general3A = arith.constant dense<0.000000e+00> : vector<128x1600xf32>
    %dot_general3A_10 = tpu.matmul %get3A_5, %get3A_1, %dot_general3A {dimension_numbers = #tpu.dot_dimension_numbers<[1], [1], [0], [0], [0, 0, 1, 0], [], []>, transpose_lhs_hint = false} : vector<128x768xf32>, vector<1600x768xf32>, vector<128x1600xf32> -> vector<128x1600xf32>
    %broadcast_in_dim3A = vector.shape_cast %sqrt3A_9 : vector<128xf32> to vector<128x1xf32>
    %broadcast_in_dim3A_11 = vector.shape_cast %sqrt3A : vector<1600xf32> to vector<1x1600xf32>
    %mul3A_12 = vector.broadcast %broadcast_in_dim3A : vector<128x1xf32> to vector<128x1600xf32>
    %mul3A_13 = vector.broadcast %broadcast_in_dim3A_11 : vector<1x1600xf32> to vector<128x1600xf32>
    %mul3A_14 = arith.mulf %mul3A_12, %mul3A_13 : vector<128x1600xf32>
    %max3A = arith.constant 9.99999993E-9 : f32
    %max3A_15 = vector.broadcast %max3A : f32 to vector<128x1600xf32>
    %max3A_16 = arith.maximumf %mul3A_14, %max3A_15 : vector<128x1600xf32>
    %div3A = arith.divf %dot_general3A_10, %max3A_16 : vector<128x1600xf32>
    %swap3A = arith.constant 0 : index
    %swap3A_17 = arith.constant 0 : index
    %swap3A_18 = vector.load %arg3[%swap3A, %swap3A_17] : memref<128x1600xf32, #tpu.memory_space<vmem>>, vector<128x1600xf32>
    tpu.vector_store %arg3[%swap3A, %swap3A_17], %div3A {strides = array<i32>} : memref<128x1600xf32, #tpu.memory_space<vmem>>, vector<128x1600xf32>,
    return
  }
  func.func @transform_0(%arg0: i32) -> (i32, i32) {
    %c0_i32 = arith.constant 0 : i32
    %c0_i32_0 = arith.constant 0 : i32
    return %arg0, %c0_i32 : i32, i32
  }
  func.func @transform_1(%arg0: i32) -> (i32, i32) {
    %c0_i32 = arith.constant 0 : i32
    %c0_i32_0 = arith.constant 0 : i32
    %c0_i32_1 = arith.constant 0 : i32
    return %c0_i32, %c0_i32_0 : i32, i32
  }
  func.func @transform_2(%arg0: i32) -> (i32, i32) {
    %c0_i32 = arith.constant 0 : i32
    %c0_i32_0 = arith.constant 0 : i32
    return %arg0, %c0_i32 : i32, i32
  }
}

module attributes {stable_mosaic.version = 14 : i64} {
  func.func @_rep_kernel(%arg0: i32, %arg1: memref<8x256xi32, #tpu.memory_space<vmem>>, %arg2: memref<8x1600xi32, #tpu.memory_space<vmem>>, %arg3: memref<8x256xi32, #tpu.memory_space<vmem>>) attributes {dimension_semantics = [#tpu.dimension_semantics<arbitrary>], iteration_bounds = array<i64: 7>, scalar_prefetch = 0 : i64, scratch_operands = 0 : i64, tpu.core_type = #tpu.core_type<tc>, window_params = [{transform_indices = @transform_0, window_bounds = array<i64: 8, 256>}, {pipeline_mode = #tpu.pipeline_mode<synchronous>, transform_indices = @transform_1, window_bounds = array<i64: 8, 1600>}, {transform_indices = @transform_2, window_bounds = array<i64: 8, 256>}]} {
    %get3A = arith.constant 0 : index
    %get3A_0 = arith.constant 0 : index
    %get3A_1 = vector.load %arg2[%get3A, %get3A_0] : memref<8x1600xi32, #tpu.memory_space<vmem>>, vector<1x1600xi32>
    %get3A_2 = vector.shape_cast %get3A_1 : vector<1x1600xi32> to vector<1600xi32>
    %broadcast_in_dim3A = vector.shape_cast %get3A_2 : vector<1600xi32> to vector<1x1600xi32>
    %get3A_3 = arith.constant 1 : index
    %get3A_4 = arith.constant 0 : index
    %get3A_5 = vector.load %arg2[%get3A_3, %get3A_4] : memref<8x1600xi32, #tpu.memory_space<vmem>>, vector<1x1600xi32>
    %get3A_6 = vector.shape_cast %get3A_5 : vector<1x1600xi32> to vector<1600xi32>
    %broadcast_in_dim3A_7 = vector.shape_cast %get3A_6 : vector<1600xi32> to vector<1x1600xi32>
    %get3A_8 = arith.constant 0 : index
    %get3A_9 = arith.constant 0 : index
    %get3A_10 = vector.load %arg1[%get3A_8, %get3A_9] : memref<8x256xi32, #tpu.memory_space<vmem>>, vector<1x256xi32>
    %get3A_11 = vector.shape_cast %get3A_10 : vector<1x256xi32> to vector<256xi32>
    %broadcast_in_dim3A_12 = vector.shape_cast %get3A_11 : vector<256xi32> to vector<256x1xi32>
    %get3A_13 = arith.constant 1 : index
    %get3A_14 = arith.constant 0 : index
    %get3A_15 = vector.load %arg1[%get3A_13, %get3A_14] : memref<8x256xi32, #tpu.memory_space<vmem>>, vector<1x256xi32>
    %get3A_16 = vector.shape_cast %get3A_15 : vector<1x256xi32> to vector<256xi32>
    %broadcast_in_dim3A_17 = vector.shape_cast %get3A_16 : vector<256xi32> to vector<256x1xi32>
    %eq3A = vector.broadcast %broadcast_in_dim3A_12 : vector<256x1xi32> to vector<256x1600xi32>
    %eq3A_18 = vector.broadcast %broadcast_in_dim3A : vector<1x1600xi32> to vector<256x1600xi32>
    %eq3A_19 = arith.cmpi eq, %eq3A, %eq3A_18 : vector<256x1600xi32>
    %eq3A_20 = vector.broadcast %broadcast_in_dim3A_17 : vector<256x1xi32> to vector<256x1600xi32>
    %eq3A_21 = vector.broadcast %broadcast_in_dim3A_7 : vector<1x1600xi32> to vector<256x1600xi32>
    %eq3A_22 = arith.cmpi eq, %eq3A_20, %eq3A_21 : vector<256x1600xi32>
    %and3A = arith.andi %eq3A_19, %eq3A_22 : vector<256x1600xi1>
    %iota3A = tpu.iota {dimensions = array<i32: 1>} : vector<256x1600xi32>
    %jit3A = arith.constant 1600 : i32
    %broadcast_in_dim3A_23 = vector.broadcast %jit3A : i32 to vector<256x1600xi32>
    %select_n3A = arith.select %and3A, %iota3A, %broadcast_in_dim3A_23 : vector<256x1600xi1>, vector<256x1600xi32>
    %reduce_min3A = arith.constant dense<2147483647> : vector<256xi32>
    %reduce_min3A_24 = vector.multi_reduction <minsi>, %select_n3A, %reduce_min3A [1] : vector<256x1600xi32> to vector<256xi32>
    %iota3A_25 = tpu.iota {dimensions = array<i32: 0>} : vector<8x256xi32>
    %eq3A_26 = arith.constant 0 : i32
    %eq3A_27 = vector.broadcast %eq3A_26 : i32 to vector<8x256xi32>
    %eq3A_28 = arith.cmpi eq, %iota3A_25, %eq3A_27 : vector<8x256xi32>
    %broadcast_in_dim3A_29 = vector.shape_cast %reduce_min3A_24 : vector<256xi32> to vector<1x256xi32>
    %jit3A_30 = arith.constant 0 : i32
    %broadcast_in_dim3A_31 = vector.shape_cast %broadcast_in_dim3A_29 : vector<1x256xi32> to vector<1x256xi32>
    %broadcast_in_dim3A_32 = vector.broadcast %broadcast_in_dim3A_31 : vector<1x256xi32> to vector<8x256xi32>
    %broadcast_in_dim3A_33 = vector.broadcast %jit3A_30 : i32 to vector<8x256xi32>
    %select_n3A_34 = arith.select %eq3A_28, %broadcast_in_dim3A_32, %broadcast_in_dim3A_33 : vector<8x256xi1>, vector<8x256xi32>
    %swap3A = arith.constant 0 : index
    %swap3A_35 = arith.constant 0 : index
    %swap3A_36 = vector.load %arg3[%swap3A, %swap3A_35] : memref<8x256xi32, #tpu.memory_space<vmem>>, vector<8x256xi32>
    tpu.vector_store %arg3[%swap3A, %swap3A_35], %select_n3A_34 {strides = array<i32>} : memref<8x256xi32, #tpu.memory_space<vmem>>, vector<8x256xi32>,
    return
  }
  func.func @transform_0(%arg0: i32) -> (i32, i32) {
    %c0_i32 = arith.constant 0 : i32
    %c0_i32_0 = arith.constant 0 : i32
    return %c0_i32, %arg0 : i32, i32
  }
  func.func @transform_1(%arg0: i32) -> (i32, i32) {
    %c0_i32 = arith.constant 0 : i32
    %c0_i32_0 = arith.constant 0 : i32
    %c0_i32_1 = arith.constant 0 : i32
    return %c0_i32, %c0_i32_0 : i32, i32
  }
  func.func @transform_2(%arg0: i32) -> (i32, i32) {
    %c0_i32 = arith.constant 0 : i32
    %c0_i32_0 = arith.constant 0 : i32
    return %c0_i32, %arg0 : i32, i32
  }
}

module attributes {stable_mosaic.version = 14 : i64} {
  func.func @_select_kernel(%arg0: i32, %arg1: memref<128x1600xf32, #tpu.memory_space<vmem>>, %arg2: memref<8x128xi32, #tpu.memory_space<vmem>>) attributes {dimension_semantics = [#tpu.dimension_semantics<arbitrary>], iteration_bounds = array<i64: 7>, scalar_prefetch = 0 : i64, scratch_operands = 0 : i64, tpu.core_type = #tpu.core_type<tc>, window_params = [{transform_indices = @transform_0, window_bounds = array<i64: 128, 1600>}, {transform_indices = @transform_1, window_bounds = array<i64: 8, 128>}]} {
    %get3A = arith.constant 0 : index
    %get3A_0 = arith.constant 0 : index
    %get3A_1 = vector.load %arg1[%get3A, %get3A_0] : memref<128x1600xf32, #tpu.memory_space<vmem>>, vector<128x1600xf32>
    %iota3A = tpu.iota {dimensions = array<i32: 1>} : vector<128x1600xi32>
    %reduce_max3A = arith.constant dense<0xFF800000> : vector<128xf32>
    %reduce_max3A_2 = vector.multi_reduction <maximumf>, %get3A_1, %reduce_max3A [1] : vector<128x1600xf32> to vector<128xf32>
    %broadcast_in_dim3A = vector.shape_cast %reduce_max3A_2 : vector<128xf32> to vector<128x1xf32>
    %eq3A = vector.broadcast %broadcast_in_dim3A : vector<128x1xf32> to vector<128x1600xf32>
    %eq3A_3 = arith.cmpf oeq, %get3A_1, %eq3A : vector<128x1600xf32>
    %jit3A = arith.constant 1601 : i32
    %broadcast_in_dim3A_4 = vector.broadcast %jit3A : i32 to vector<128x1600xi32>
    %select_n3A = arith.select %eq3A_3, %iota3A, %broadcast_in_dim3A_4 : vector<128x1600xi1>, vector<128x1600xi32>
    %reduce_min3A = arith.constant dense<2147483647> : vector<128xi32>
    %reduce_min3A_5 = vector.multi_reduction <minsi>, %select_n3A, %reduce_min3A [1] : vector<128x1600xi32> to vector<128xi32>
    %broadcast_in_dim3A_6 = vector.shape_cast %reduce_min3A_5 : vector<128xi32> to vector<128x1xi32>
    %eq3A_7 = vector.broadcast %broadcast_in_dim3A_6 : vector<128x1xi32> to vector<128x1600xi32>
    %eq3A_8 = arith.cmpi eq, %iota3A, %eq3A_7 : vector<128x1600xi32>
    %jit3A_9 = arith.constant 0xFF800000 : f32
    %broadcast_in_dim3A_10 = vector.broadcast %jit3A_9 : f32 to vector<128x1600xf32>
    %select_n3A_11 = arith.select %eq3A_8, %broadcast_in_dim3A_10, %get3A_1 : vector<128x1600xi1>, vector<128x1600xf32>
    %reduce_max3A_12 = arith.constant dense<0xFF800000> : vector<128xf32>
    %reduce_max3A_13 = vector.multi_reduction <maximumf>, %select_n3A_11, %reduce_max3A_12 [1] : vector<128x1600xf32> to vector<128xf32>
    %broadcast_in_dim3A_14 = vector.shape_cast %reduce_max3A_13 : vector<128xf32> to vector<128x1xf32>
    %eq3A_15 = vector.broadcast %broadcast_in_dim3A_14 : vector<128x1xf32> to vector<128x1600xf32>
    %eq3A_16 = arith.cmpf oeq, %select_n3A_11, %eq3A_15 : vector<128x1600xf32>
    %jit3A_17 = arith.constant 1601 : i32
    %broadcast_in_dim3A_18 = vector.broadcast %jit3A_17 : i32 to vector<128x1600xi32>
    %select_n3A_19 = arith.select %eq3A_16, %iota3A, %broadcast_in_dim3A_18 : vector<128x1600xi1>, vector<128x1600xi32>
    %reduce_min3A_20 = arith.constant dense<2147483647> : vector<128xi32>
    %reduce_min3A_21 = vector.multi_reduction <minsi>, %select_n3A_19, %reduce_min3A_20 [1] : vector<128x1600xi32> to vector<128xi32>
    %iota3A_22 = tpu.iota {dimensions = array<i32: 0>} : vector<8x128xi32>
    %eq3A_23 = arith.constant 0 : i32
    %eq3A_24 = vector.broadcast %eq3A_23 : i32 to vector<8x128xi32>
    %eq3A_25 = arith.cmpi eq, %iota3A_22, %eq3A_24 : vector<8x128xi32>
    %broadcast_in_dim3A_26 = vector.shape_cast %reduce_min3A_5 : vector<128xi32> to vector<1x128xi32>
    %eq3A_27 = arith.constant 1 : i32
    %eq3A_28 = vector.broadcast %eq3A_27 : i32 to vector<8x128xi32>
    %eq3A_29 = arith.cmpi eq, %iota3A_22, %eq3A_28 : vector<8x128xi32>
    %broadcast_in_dim3A_30 = vector.shape_cast %reduce_min3A_21 : vector<128xi32> to vector<1x128xi32>
    %jit3A_31 = arith.constant 0 : i32
    %broadcast_in_dim3A_32 = vector.shape_cast %broadcast_in_dim3A_30 : vector<1x128xi32> to vector<1x128xi32>
    %broadcast_in_dim3A_33 = vector.broadcast %broadcast_in_dim3A_32 : vector<1x128xi32> to vector<8x128xi32>
    %broadcast_in_dim3A_34 = vector.broadcast %jit3A_31 : i32 to vector<8x128xi32>
    %select_n3A_35 = arith.select %eq3A_29, %broadcast_in_dim3A_33, %broadcast_in_dim3A_34 : vector<8x128xi1>, vector<8x128xi32>
    %broadcast_in_dim3A_36 = vector.shape_cast %broadcast_in_dim3A_26 : vector<1x128xi32> to vector<1x128xi32>
    %broadcast_in_dim3A_37 = vector.broadcast %broadcast_in_dim3A_36 : vector<1x128xi32> to vector<8x128xi32>
    %select_n3A_38 = arith.select %eq3A_25, %broadcast_in_dim3A_37, %select_n3A_35 : vector<8x128xi1>, vector<8x128xi32>
    %swap3A = arith.constant 0 : index
    %swap3A_39 = arith.constant 0 : index
    %swap3A_40 = vector.load %arg2[%swap3A, %swap3A_39] : memref<8x128xi32, #tpu.memory_space<vmem>>, vector<8x128xi32>
    tpu.vector_store %arg2[%swap3A, %swap3A_39], %select_n3A_38 {strides = array<i32>} : memref<8x128xi32, #tpu.memory_space<vmem>>, vector<8x128xi32>,
    return
  }
  func.func @transform_0(%arg0: i32) -> (i32, i32) {
    %c0_i32 = arith.constant 0 : i32
    %c0_i32_0 = arith.constant 0 : i32
    return %arg0, %c0_i32 : i32, i32
  }
  func.func @transform_1(%arg0: i32) -> (i32, i32) {
    %c0_i32 = arith.constant 0 : i32
    %c0_i32_0 = arith.constant 0 : i32
    return %c0_i32, %arg0 : i32, i32
  }
}

module attributes {stable_mosaic.version = 14 : i64} {
  func.func @_mha_ln_kernel(%arg0: memref<800x768xf32, #tpu.memory_space<vmem>>, %arg1: memref<2304x768xf32, #tpu.memory_space<vmem>>, %arg2: memref<1x2304xf32, #tpu.memory_space<vmem>>, %arg3: memref<768x768xf32, #tpu.memory_space<vmem>>, %arg4: memref<1x768xf32, #tpu.memory_space<vmem>>, %arg5: memref<1x768xf32, #tpu.memory_space<vmem>>, %arg6: memref<1x768xf32, #tpu.memory_space<vmem>>, %arg7: memref<800x768xf32, #tpu.memory_space<vmem>>) attributes {dimension_semantics = [], scalar_prefetch = 0 : i64, scratch_operands = 0 : i64, tpu.core_type = #tpu.core_type<tc>} {
    %get3A = arith.constant 0 : index
    %get3A_0 = arith.constant 0 : index
    %get3A_1 = vector.load %arg0[%get3A, %get3A_0] : memref<800x768xf32, #tpu.memory_space<vmem>>, vector<800x768xf32>
    %get3A_2 = arith.constant 0 : index
    %get3A_3 = arith.constant 0 : index
    %get3A_4 = vector.load %arg1[%get3A_2, %get3A_3] : memref<2304x768xf32, #tpu.memory_space<vmem>>, vector<2304x768xf32>
    %dot_general3A = arith.constant dense<0.000000e+00> : vector<800x2304xf32>
    %dot_general3A_5 = tpu.matmul %get3A_1, %get3A_4, %dot_general3A {dimension_numbers = #tpu.dot_dimension_numbers<[1], [1], [0], [0], [0, 0, 1, 0], [], []>, transpose_lhs_hint = false} : vector<800x768xf32>, vector<2304x768xf32>, vector<800x2304xf32> -> vector<800x2304xf32>
    %get3A_6 = arith.constant 0 : index
    %get3A_7 = arith.constant 0 : index
    %get3A_8 = vector.load %arg2[%get3A_6, %get3A_7] : memref<1x2304xf32, #tpu.memory_space<vmem>>, vector<1x2304xf32>
    %add3A = vector.broadcast %get3A_8 : vector<1x2304xf32> to vector<800x2304xf32>
    %add3A_9 = arith.addf %dot_general3A_5, %add3A : vector<800x2304xf32>
    %slice3A = vector.extract_strided_slice %add3A_9 {offsets = [0, 0], sizes = [800, 96], strides = [1, 1]} : vector<800x2304xf32> to vector<800x96xf32>
    %slice3A_10 = vector.extract_strided_slice %add3A_9 {offsets = [0, 768], sizes = [800, 96], strides = [1, 1]} : vector<800x2304xf32> to vector<800x96xf32>
    %slice3A_11 = vector.extract_strided_slice %add3A_9 {offsets = [0, 1536], sizes = [800, 96], strides = [1, 1]} : vector<800x2304xf32> to vector<800x96xf32>
    %dot_general3A_12 = arith.constant dense<0.000000e+00> : vector<800x800xf32>
    %dot_general3A_13 = tpu.matmul %slice3A, %slice3A_10, %dot_general3A_12 {dimension_numbers = #tpu.dot_dimension_numbers<[1], [1], [0], [0], [0, 0, 1, 0], [], []>, transpose_lhs_hint = false} : vector<800x96xf32>, vector<800x96xf32>, vector<800x800xf32> -> vector<800x800xf32>
    %mul3A = arith.constant 0.102062076 : f32
    %mul3A_14 = vector.broadcast %mul3A : f32 to vector<800x800xf32>
    %mul3A_15 = arith.mulf %dot_general3A_13, %mul3A_14 : vector<800x800xf32>
    %reduce_max3A = arith.constant dense<0xFF800000> : vector<800xf32>
    %reduce_max3A_16 = vector.multi_reduction <maximumf>, %mul3A_15, %reduce_max3A [1] : vector<800x800xf32> to vector<800xf32>
    %broadcast_in_dim3A = vector.shape_cast %reduce_max3A_16 : vector<800xf32> to vector<800x1xf32>
    %sub3A = vector.broadcast %broadcast_in_dim3A : vector<800x1xf32> to vector<800x800xf32>
    %sub3A_17 = arith.subf %mul3A_15, %sub3A : vector<800x800xf32>
    %exp3A = math.exp %sub3A_17 : vector<800x800xf32>
    %reduce_sum3A = arith.constant dense<0.000000e+00> : vector<800xf32>
    %reduce_sum3A_18 = vector.multi_reduction <add>, %exp3A, %reduce_sum3A [1] : vector<800x800xf32> to vector<800xf32>
    %broadcast_in_dim3A_19 = vector.shape_cast %reduce_sum3A_18 : vector<800xf32> to vector<800x1xf32>
    %div3A = vector.broadcast %broadcast_in_dim3A_19 : vector<800x1xf32> to vector<800x800xf32>
    %div3A_20 = arith.divf %exp3A, %div3A : vector<800x800xf32>
    %dot_general3A_21 = arith.constant dense<0.000000e+00> : vector<800x96xf32>
    %dot_general3A_22 = tpu.matmul %div3A_20, %slice3A_11, %dot_general3A_21 {dimension_numbers = #tpu.dot_dimension_numbers<[1], [0], [0], [1], [0, 0, 1, 1], [], []>, transpose_lhs_hint = false} : vector<800x800xf32>, vector<800x96xf32>, vector<800x96xf32> -> vector<800x96xf32>
    %slice3A_23 = vector.extract_strided_slice %add3A_9 {offsets = [0, 96], sizes = [800, 96], strides = [1, 1]} : vector<800x2304xf32> to vector<800x96xf32>
    %slice3A_24 = vector.extract_strided_slice %add3A_9 {offsets = [0, 864], sizes = [800, 96], strides = [1, 1]} : vector<800x2304xf32> to vector<800x96xf32>
    %slice3A_25 = vector.extract_strided_slice %add3A_9 {offsets = [0, 1632], sizes = [800, 96], strides = [1, 1]} : vector<800x2304xf32> to vector<800x96xf32>
    %dot_general3A_26 = arith.constant dense<0.000000e+00> : vector<800x800xf32>
    %dot_general3A_27 = tpu.matmul %slice3A_23, %slice3A_24, %dot_general3A_26 {dimension_numbers = #tpu.dot_dimension_numbers<[1], [1], [0], [0], [0, 0, 1, 0], [], []>, transpose_lhs_hint = false} : vector<800x96xf32>, vector<800x96xf32>, vector<800x800xf32> -> vector<800x800xf32>
    %mul3A_28 = arith.constant 0.102062076 : f32
    %mul3A_29 = vector.broadcast %mul3A_28 : f32 to vector<800x800xf32>
    %mul3A_30 = arith.mulf %dot_general3A_27, %mul3A_29 : vector<800x800xf32>
    %reduce_max3A_31 = arith.constant dense<0xFF800000> : vector<800xf32>
    %reduce_max3A_32 = vector.multi_reduction <maximumf>, %mul3A_30, %reduce_max3A_31 [1] : vector<800x800xf32> to vector<800xf32>
    %broadcast_in_dim3A_33 = vector.shape_cast %reduce_max3A_32 : vector<800xf32> to vector<800x1xf32>
    %sub3A_34 = vector.broadcast %broadcast_in_dim3A_33 : vector<800x1xf32> to vector<800x800xf32>
    %sub3A_35 = arith.subf %mul3A_30, %sub3A_34 : vector<800x800xf32>
    %exp3A_36 = math.exp %sub3A_35 : vector<800x800xf32>
    %reduce_sum3A_37 = arith.constant dense<0.000000e+00> : vector<800xf32>
    %reduce_sum3A_38 = vector.multi_reduction <add>, %exp3A_36, %reduce_sum3A_37 [1] : vector<800x800xf32> to vector<800xf32>
    %broadcast_in_dim3A_39 = vector.shape_cast %reduce_sum3A_38 : vector<800xf32> to vector<800x1xf32>
    %div3A_40 = vector.broadcast %broadcast_in_dim3A_39 : vector<800x1xf32> to vector<800x800xf32>
    %div3A_41 = arith.divf %exp3A_36, %div3A_40 : vector<800x800xf32>
    %dot_general3A_42 = arith.constant dense<0.000000e+00> : vector<800x96xf32>
    %dot_general3A_43 = tpu.matmul %div3A_41, %slice3A_25, %dot_general3A_42 {dimension_numbers = #tpu.dot_dimension_numbers<[1], [0], [0], [1], [0, 0, 1, 1], [], []>, transpose_lhs_hint = false} : vector<800x800xf32>, vector<800x96xf32>, vector<800x96xf32> -> vector<800x96xf32>
    %slice3A_44 = vector.extract_strided_slice %add3A_9 {offsets = [0, 192], sizes = [800, 96], strides = [1, 1]} : vector<800x2304xf32> to vector<800x96xf32>
    %slice3A_45 = vector.extract_strided_slice %add3A_9 {offsets = [0, 960], sizes = [800, 96], strides = [1, 1]} : vector<800x2304xf32> to vector<800x96xf32>
    %slice3A_46 = vector.extract_strided_slice %add3A_9 {offsets = [0, 1728], sizes = [800, 96], strides = [1, 1]} : vector<800x2304xf32> to vector<800x96xf32>
    %dot_general3A_47 = arith.constant dense<0.000000e+00> : vector<800x800xf32>
    %dot_general3A_48 = tpu.matmul %slice3A_44, %slice3A_45, %dot_general3A_47 {dimension_numbers = #tpu.dot_dimension_numbers<[1], [1], [0], [0], [0, 0, 1, 0], [], []>, transpose_lhs_hint = false} : vector<800x96xf32>, vector<800x96xf32>, vector<800x800xf32> -> vector<800x800xf32>
    %mul3A_49 = arith.constant 0.102062076 : f32
    %mul3A_50 = vector.broadcast %mul3A_49 : f32 to vector<800x800xf32>
    %mul3A_51 = arith.mulf %dot_general3A_48, %mul3A_50 : vector<800x800xf32>
    %reduce_max3A_52 = arith.constant dense<0xFF800000> : vector<800xf32>
    %reduce_max3A_53 = vector.multi_reduction <maximumf>, %mul3A_51, %reduce_max3A_52 [1] : vector<800x800xf32> to vector<800xf32>
    %broadcast_in_dim3A_54 = vector.shape_cast %reduce_max3A_53 : vector<800xf32> to vector<800x1xf32>
    %sub3A_55 = vector.broadcast %broadcast_in_dim3A_54 : vector<800x1xf32> to vector<800x800xf32>
    %sub3A_56 = arith.subf %mul3A_51, %sub3A_55 : vector<800x800xf32>
    %exp3A_57 = math.exp %sub3A_56 : vector<800x800xf32>
    %reduce_sum3A_58 = arith.constant dense<0.000000e+00> : vector<800xf32>
    %reduce_sum3A_59 = vector.multi_reduction <add>, %exp3A_57, %reduce_sum3A_58 [1] : vector<800x800xf32> to vector<800xf32>
    %broadcast_in_dim3A_60 = vector.shape_cast %reduce_sum3A_59 : vector<800xf32> to vector<800x1xf32>
    %div3A_61 = vector.broadcast %broadcast_in_dim3A_60 : vector<800x1xf32> to vector<800x800xf32>
    %div3A_62 = arith.divf %exp3A_57, %div3A_61 : vector<800x800xf32>
    %dot_general3A_63 = arith.constant dense<0.000000e+00> : vector<800x96xf32>
    %dot_general3A_64 = tpu.matmul %div3A_62, %slice3A_46, %dot_general3A_63 {dimension_numbers = #tpu.dot_dimension_numbers<[1], [0], [0], [1], [0, 0, 1, 1], [], []>, transpose_lhs_hint = false} : vector<800x800xf32>, vector<800x96xf32>, vector<800x96xf32> -> vector<800x96xf32>
    %slice3A_65 = vector.extract_strided_slice %add3A_9 {offsets = [0, 288], sizes = [800, 96], strides = [1, 1]} : vector<800x2304xf32> to vector<800x96xf32>
    %slice3A_66 = vector.extract_strided_slice %add3A_9 {offsets = [0, 1056], sizes = [800, 96], strides = [1, 1]} : vector<800x2304xf32> to vector<800x96xf32>
    %slice3A_67 = vector.extract_strided_slice %add3A_9 {offsets = [0, 1824], sizes = [800, 96], strides = [1, 1]} : vector<800x2304xf32> to vector<800x96xf32>
    %dot_general3A_68 = arith.constant dense<0.000000e+00> : vector<800x800xf32>
    %dot_general3A_69 = tpu.matmul %slice3A_65, %slice3A_66, %dot_general3A_68 {dimension_numbers = #tpu.dot_dimension_numbers<[1], [1], [0], [0], [0, 0, 1, 0], [], []>, transpose_lhs_hint = false} : vector<800x96xf32>, vector<800x96xf32>, vector<800x800xf32> -> vector<800x800xf32>
    %mul3A_70 = arith.constant 0.102062076 : f32
    %mul3A_71 = vector.broadcast %mul3A_70 : f32 to vector<800x800xf32>
    %mul3A_72 = arith.mulf %dot_general3A_69, %mul3A_71 : vector<800x800xf32>
    %reduce_max3A_73 = arith.constant dense<0xFF800000> : vector<800xf32>
    %reduce_max3A_74 = vector.multi_reduction <maximumf>, %mul3A_72, %reduce_max3A_73 [1] : vector<800x800xf32> to vector<800xf32>
    %broadcast_in_dim3A_75 = vector.shape_cast %reduce_max3A_74 : vector<800xf32> to vector<800x1xf32>
    %sub3A_76 = vector.broadcast %broadcast_in_dim3A_75 : vector<800x1xf32> to vector<800x800xf32>
    %sub3A_77 = arith.subf %mul3A_72, %sub3A_76 : vector<800x800xf32>
    %exp3A_78 = math.exp %sub3A_77 : vector<800x800xf32>
    %reduce_sum3A_79 = arith.constant dense<0.000000e+00> : vector<800xf32>
    %reduce_sum3A_80 = vector.multi_reduction <add>, %exp3A_78, %reduce_sum3A_79 [1] : vector<800x800xf32> to vector<800xf32>
    %broadcast_in_dim3A_81 = vector.shape_cast %reduce_sum3A_80 : vector<800xf32> to vector<800x1xf32>
    %div3A_82 = vector.broadcast %broadcast_in_dim3A_81 : vector<800x1xf32> to vector<800x800xf32>
    %div3A_83 = arith.divf %exp3A_78, %div3A_82 : vector<800x800xf32>
    %dot_general3A_84 = arith.constant dense<0.000000e+00> : vector<800x96xf32>
    %dot_general3A_85 = tpu.matmul %div3A_83, %slice3A_67, %dot_general3A_84 {dimension_numbers = #tpu.dot_dimension_numbers<[1], [0], [0], [1], [0, 0, 1, 1], [], []>, transpose_lhs_hint = false} : vector<800x800xf32>, vector<800x96xf32>, vector<800x96xf32> -> vector<800x96xf32>
    %slice3A_86 = vector.extract_strided_slice %add3A_9 {offsets = [0, 384], sizes = [800, 96], strides = [1, 1]} : vector<800x2304xf32> to vector<800x96xf32>
    %slice3A_87 = vector.extract_strided_slice %add3A_9 {offsets = [0, 1152], sizes = [800, 96], strides = [1, 1]} : vector<800x2304xf32> to vector<800x96xf32>
    %slice3A_88 = vector.extract_strided_slice %add3A_9 {offsets = [0, 1920], sizes = [800, 96], strides = [1, 1]} : vector<800x2304xf32> to vector<800x96xf32>
    %dot_general3A_89 = arith.constant dense<0.000000e+00> : vector<800x800xf32>
    %dot_general3A_90 = tpu.matmul %slice3A_86, %slice3A_87, %dot_general3A_89 {dimension_numbers = #tpu.dot_dimension_numbers<[1], [1], [0], [0], [0, 0, 1, 0], [], []>, transpose_lhs_hint = false} : vector<800x96xf32>, vector<800x96xf32>, vector<800x800xf32> -> vector<800x800xf32>
    %mul3A_91 = arith.constant 0.102062076 : f32
    %mul3A_92 = vector.broadcast %mul3A_91 : f32 to vector<800x800xf32>
    %mul3A_93 = arith.mulf %dot_general3A_90, %mul3A_92 : vector<800x800xf32>
    %reduce_max3A_94 = arith.constant dense<0xFF800000> : vector<800xf32>
    %reduce_max3A_95 = vector.multi_reduction <maximumf>, %mul3A_93, %reduce_max3A_94 [1] : vector<800x800xf32> to vector<800xf32>
    %broadcast_in_dim3A_96 = vector.shape_cast %reduce_max3A_95 : vector<800xf32> to vector<800x1xf32>
    %sub3A_97 = vector.broadcast %broadcast_in_dim3A_96 : vector<800x1xf32> to vector<800x800xf32>
    %sub3A_98 = arith.subf %mul3A_93, %sub3A_97 : vector<800x800xf32>
    %exp3A_99 = math.exp %sub3A_98 : vector<800x800xf32>
    %reduce_sum3A_100 = arith.constant dense<0.000000e+00> : vector<800xf32>
    %reduce_sum3A_101 = vector.multi_reduction <add>, %exp3A_99, %reduce_sum3A_100 [1] : vector<800x800xf32> to vector<800xf32>
    %broadcast_in_dim3A_102 = vector.shape_cast %reduce_sum3A_101 : vector<800xf32> to vector<800x1xf32>
    %div3A_103 = vector.broadcast %broadcast_in_dim3A_102 : vector<800x1xf32> to vector<800x800xf32>
    %div3A_104 = arith.divf %exp3A_99, %div3A_103 : vector<800x800xf32>
    %dot_general3A_105 = arith.constant dense<0.000000e+00> : vector<800x96xf32>
    %dot_general3A_106 = tpu.matmul %div3A_104, %slice3A_88, %dot_general3A_105 {dimension_numbers = #tpu.dot_dimension_numbers<[1], [0], [0], [1], [0, 0, 1, 1], [], []>, transpose_lhs_hint = false} : vector<800x800xf32>, vector<800x96xf32>, vector<800x96xf32> -> vector<800x96xf32>
    %slice3A_107 = vector.extract_strided_slice %add3A_9 {offsets = [0, 480], sizes = [800, 96], strides = [1, 1]} : vector<800x2304xf32> to vector<800x96xf32>
    %slice3A_108 = vector.extract_strided_slice %add3A_9 {offsets = [0, 1248], sizes = [800, 96], strides = [1, 1]} : vector<800x2304xf32> to vector<800x96xf32>
    %slice3A_109 = vector.extract_strided_slice %add3A_9 {offsets = [0, 2016], sizes = [800, 96], strides = [1, 1]} : vector<800x2304xf32> to vector<800x96xf32>
    %dot_general3A_110 = arith.constant dense<0.000000e+00> : vector<800x800xf32>
    %dot_general3A_111 = tpu.matmul %slice3A_107, %slice3A_108, %dot_general3A_110 {dimension_numbers = #tpu.dot_dimension_numbers<[1], [1], [0], [0], [0, 0, 1, 0], [], []>, transpose_lhs_hint = false} : vector<800x96xf32>, vector<800x96xf32>, vector<800x800xf32> -> vector<800x800xf32>
    %mul3A_112 = arith.constant 0.102062076 : f32
    %mul3A_113 = vector.broadcast %mul3A_112 : f32 to vector<800x800xf32>
    %mul3A_114 = arith.mulf %dot_general3A_111, %mul3A_113 : vector<800x800xf32>
    %reduce_max3A_115 = arith.constant dense<0xFF800000> : vector<800xf32>
    %reduce_max3A_116 = vector.multi_reduction <maximumf>, %mul3A_114, %reduce_max3A_115 [1] : vector<800x800xf32> to vector<800xf32>
    %broadcast_in_dim3A_117 = vector.shape_cast %reduce_max3A_116 : vector<800xf32> to vector<800x1xf32>
    %sub3A_118 = vector.broadcast %broadcast_in_dim3A_117 : vector<800x1xf32> to vector<800x800xf32>
    %sub3A_119 = arith.subf %mul3A_114, %sub3A_118 : vector<800x800xf32>
    %exp3A_120 = math.exp %sub3A_119 : vector<800x800xf32>
    %reduce_sum3A_121 = arith.constant dense<0.000000e+00> : vector<800xf32>
    %reduce_sum3A_122 = vector.multi_reduction <add>, %exp3A_120, %reduce_sum3A_121 [1] : vector<800x800xf32> to vector<800xf32>
    %broadcast_in_dim3A_123 = vector.shape_cast %reduce_sum3A_122 : vector<800xf32> to vector<800x1xf32>
    %div3A_124 = vector.broadcast %broadcast_in_dim3A_123 : vector<800x1xf32> to vector<800x800xf32>
    %div3A_125 = arith.divf %exp3A_120, %div3A_124 : vector<800x800xf32>
    %dot_general3A_126 = arith.constant dense<0.000000e+00> : vector<800x96xf32>
    %dot_general3A_127 = tpu.matmul %div3A_125, %slice3A_109, %dot_general3A_126 {dimension_numbers = #tpu.dot_dimension_numbers<[1], [0], [0], [1], [0, 0, 1, 1], [], []>, transpose_lhs_hint = false} : vector<800x800xf32>, vector<800x96xf32>, vector<800x96xf32> -> vector<800x96xf32>
    %slice3A_128 = vector.extract_strided_slice %add3A_9 {offsets = [0, 576], sizes = [800, 96], strides = [1, 1]} : vector<800x2304xf32> to vector<800x96xf32>
    %slice3A_129 = vector.extract_strided_slice %add3A_9 {offsets = [0, 1344], sizes = [800, 96], strides = [1, 1]} : vector<800x2304xf32> to vector<800x96xf32>
    %slice3A_130 = vector.extract_strided_slice %add3A_9 {offsets = [0, 2112], sizes = [800, 96], strides = [1, 1]} : vector<800x2304xf32> to vector<800x96xf32>
    %dot_general3A_131 = arith.constant dense<0.000000e+00> : vector<800x800xf32>
    %dot_general3A_132 = tpu.matmul %slice3A_128, %slice3A_129, %dot_general3A_131 {dimension_numbers = #tpu.dot_dimension_numbers<[1], [1], [0], [0], [0, 0, 1, 0], [], []>, transpose_lhs_hint = false} : vector<800x96xf32>, vector<800x96xf32>, vector<800x800xf32> -> vector<800x800xf32>
    %mul3A_133 = arith.constant 0.102062076 : f32
    %mul3A_134 = vector.broadcast %mul3A_133 : f32 to vector<800x800xf32>
    %mul3A_135 = arith.mulf %dot_general3A_132, %mul3A_134 : vector<800x800xf32>
    %reduce_max3A_136 = arith.constant dense<0xFF800000> : vector<800xf32>
    %reduce_max3A_137 = vector.multi_reduction <maximumf>, %mul3A_135, %reduce_max3A_136 [1] : vector<800x800xf32> to vector<800xf32>
    %broadcast_in_dim3A_138 = vector.shape_cast %reduce_max3A_137 : vector<800xf32> to vector<800x1xf32>
    %sub3A_139 = vector.broadcast %broadcast_in_dim3A_138 : vector<800x1xf32> to vector<800x800xf32>
    %sub3A_140 = arith.subf %mul3A_135, %sub3A_139 : vector<800x800xf32>
    %exp3A_141 = math.exp %sub3A_140 : vector<800x800xf32>
    %reduce_sum3A_142 = arith.constant dense<0.000000e+00> : vector<800xf32>
    %reduce_sum3A_143 = vector.multi_reduction <add>, %exp3A_141, %reduce_sum3A_142 [1] : vector<800x800xf32> to vector<800xf32>
    %broadcast_in_dim3A_144 = vector.shape_cast %reduce_sum3A_143 : vector<800xf32> to vector<800x1xf32>
    %div3A_145 = vector.broadcast %broadcast_in_dim3A_144 : vector<800x1xf32> to vector<800x800xf32>
    %div3A_146 = arith.divf %exp3A_141, %div3A_145 : vector<800x800xf32>
    %dot_general3A_147 = arith.constant dense<0.000000e+00> : vector<800x96xf32>
    %dot_general3A_148 = tpu.matmul %div3A_146, %slice3A_130, %dot_general3A_147 {dimension_numbers = #tpu.dot_dimension_numbers<[1], [0], [0], [1], [0, 0, 1, 1], [], []>, transpose_lhs_hint = false} : vector<800x800xf32>, vector<800x96xf32>, vector<800x96xf32> -> vector<800x96xf32>
    %slice3A_149 = vector.extract_strided_slice %add3A_9 {offsets = [0, 672], sizes = [800, 96], strides = [1, 1]} : vector<800x2304xf32> to vector<800x96xf32>
    %slice3A_150 = vector.extract_strided_slice %add3A_9 {offsets = [0, 1440], sizes = [800, 96], strides = [1, 1]} : vector<800x2304xf32> to vector<800x96xf32>
    %slice3A_151 = vector.extract_strided_slice %add3A_9 {offsets = [0, 2208], sizes = [800, 96], strides = [1, 1]} : vector<800x2304xf32> to vector<800x96xf32>
    %dot_general3A_152 = arith.constant dense<0.000000e+00> : vector<800x800xf32>
    %dot_general3A_153 = tpu.matmul %slice3A_149, %slice3A_150, %dot_general3A_152 {dimension_numbers = #tpu.dot_dimension_numbers<[1], [1], [0], [0], [0, 0, 1, 0], [], []>, transpose_lhs_hint = false} : vector<800x96xf32>, vector<800x96xf32>, vector<800x800xf32> -> vector<800x800xf32>
    %mul3A_154 = arith.constant 0.102062076 : f32
    %mul3A_155 = vector.broadcast %mul3A_154 : f32 to vector<800x800xf32>
    %mul3A_156 = arith.mulf %dot_general3A_153, %mul3A_155 : vector<800x800xf32>
    %reduce_max3A_157 = arith.constant dense<0xFF800000> : vector<800xf32>
    %reduce_max3A_158 = vector.multi_reduction <maximumf>, %mul3A_156, %reduce_max3A_157 [1] : vector<800x800xf32> to vector<800xf32>
    %broadcast_in_dim3A_159 = vector.shape_cast %reduce_max3A_158 : vector<800xf32> to vector<800x1xf32>
    %sub3A_160 = vector.broadcast %broadcast_in_dim3A_159 : vector<800x1xf32> to vector<800x800xf32>
    %sub3A_161 = arith.subf %mul3A_156, %sub3A_160 : vector<800x800xf32>
    %exp3A_162 = math.exp %sub3A_161 : vector<800x800xf32>
    %reduce_sum3A_163 = arith.constant dense<0.000000e+00> : vector<800xf32>
    %reduce_sum3A_164 = vector.multi_reduction <add>, %exp3A_162, %reduce_sum3A_163 [1] : vector<800x800xf32> to vector<800xf32>
    %broadcast_in_dim3A_165 = vector.shape_cast %reduce_sum3A_164 : vector<800xf32> to vector<800x1xf32>
    %div3A_166 = vector.broadcast %broadcast_in_dim3A_165 : vector<800x1xf32> to vector<800x800xf32>
    %div3A_167 = arith.divf %exp3A_162, %div3A_166 : vector<800x800xf32>
    %dot_general3A_168 = arith.constant dense<0.000000e+00> : vector<800x96xf32>
    %dot_general3A_169 = tpu.matmul %div3A_167, %slice3A_151, %dot_general3A_168 {dimension_numbers = #tpu.dot_dimension_numbers<[1], [0], [0], [1], [0, 0, 1, 1], [], []>, transpose_lhs_hint = false} : vector<800x800xf32>, vector<800x96xf32>, vector<800x96xf32> -> vector<800x96xf32>
    %concatenate3A = tpu.concatenate %dot_general3A_22, %dot_general3A_43, %dot_general3A_64, %dot_general3A_85, %dot_general3A_106, %dot_general3A_127, %dot_general3A_148, %dot_general3A_169 in 1 : vector<800x96xf32>, vector<800x96xf32>, vector<800x96xf32>, vector<800x96xf32>, vector<800x96xf32>, vector<800x96xf32>, vector<800x96xf32>, vector<800x96xf32> -> vector<800x768xf32>
    %get3A_170 = arith.constant 0 : index
    %get3A_171 = arith.constant 0 : index
    %get3A_172 = vector.load %arg3[%get3A_170, %get3A_171] : memref<768x768xf32, #tpu.memory_space<vmem>>, vector<768x768xf32>
    %dot_general3A_173 = arith.constant dense<0.000000e+00> : vector<800x768xf32>
    %dot_general3A_174 = tpu.matmul %concatenate3A, %get3A_172, %dot_general3A_173 {dimension_numbers = #tpu.dot_dimension_numbers<[1], [1], [0], [0], [0, 0, 1, 0], [], []>, transpose_lhs_hint = false} : vector<800x768xf32>, vector<768x768xf32>, vector<800x768xf32> -> vector<800x768xf32>
    %get3A_175 = arith.constant 0 : index
    %get3A_176 = arith.constant 0 : index
    %get3A_177 = vector.load %arg4[%get3A_175, %get3A_176] : memref<1x768xf32, #tpu.memory_space<vmem>>, vector<1x768xf32>
    %add3A_178 = vector.broadcast %get3A_177 : vector<1x768xf32> to vector<800x768xf32>
    %add3A_179 = arith.addf %dot_general3A_174, %add3A_178 : vector<800x768xf32>
    %add3A_180 = arith.addf %get3A_1, %add3A_179 : vector<800x768xf32>
    %get3A_181 = arith.constant 0 : index
    %get3A_182 = arith.constant 0 : index
    %get3A_183 = vector.load %arg5[%get3A_181, %get3A_182] : memref<1x768xf32, #tpu.memory_space<vmem>>, vector<1x768xf32>
    %get3A_184 = arith.constant 0 : index
    %get3A_185 = arith.constant 0 : index
    %get3A_186 = vector.load %arg6[%get3A_184, %get3A_185] : memref<1x768xf32, #tpu.memory_space<vmem>>, vector<1x768xf32>
    %reduce_sum3A_187 = arith.constant dense<0.000000e+00> : vector<800xf32>
    %reduce_sum3A_188 = vector.multi_reduction <add>, %add3A_180, %reduce_sum3A_187 [1] : vector<800x768xf32> to vector<800xf32>
    %broadcast_in_dim3A_189 = vector.shape_cast %reduce_sum3A_188 : vector<800xf32> to vector<800x1xf32>
    %div3A_190 = arith.constant 7.680000e+02 : f32
    %div3A_191 = vector.broadcast %div3A_190 : f32 to vector<800x1xf32>
    %div3A_192 = arith.divf %broadcast_in_dim3A_189, %div3A_191 : vector<800x1xf32>
    %sub3A_193 = vector.broadcast %div3A_192 : vector<800x1xf32> to vector<800x768xf32>
    %sub3A_194 = arith.subf %add3A_180, %sub3A_193 : vector<800x768xf32>
    %integer_pow3A = arith.mulf %sub3A_194, %sub3A_194 : vector<800x768xf32>
    %reduce_sum3A_195 = arith.constant dense<0.000000e+00> : vector<800xf32>
    %reduce_sum3A_196 = vector.multi_reduction <add>, %integer_pow3A, %reduce_sum3A_195 [1] : vector<800x768xf32> to vector<800xf32>
    %broadcast_in_dim3A_197 = vector.shape_cast %reduce_sum3A_196 : vector<800xf32> to vector<800x1xf32>
    %div3A_198 = arith.constant 7.680000e+02 : f32
    %div3A_199 = vector.broadcast %div3A_198 : f32 to vector<800x1xf32>
    %div3A_200 = arith.divf %broadcast_in_dim3A_197, %div3A_199 : vector<800x1xf32>
    %sub3A_201 = vector.broadcast %div3A_192 : vector<800x1xf32> to vector<800x768xf32>
    %sub3A_202 = arith.subf %add3A_180, %sub3A_201 : vector<800x768xf32>
    %add3A_203 = arith.constant 9.99999974E-6 : f32
    %add3A_204 = vector.broadcast %add3A_203 : f32 to vector<800x1xf32>
    %add3A_205 = arith.addf %div3A_200, %add3A_204 : vector<800x1xf32>
    %sqrt3A = math.sqrt %add3A_205 : vector<800x1xf32>
    %div3A_206 = vector.broadcast %sqrt3A : vector<800x1xf32> to vector<800x768xf32>
    %div3A_207 = arith.divf %sub3A_202, %div3A_206 : vector<800x768xf32>
    %mul3A_208 = vector.broadcast %get3A_183 : vector<1x768xf32> to vector<800x768xf32>
    %mul3A_209 = arith.mulf %div3A_207, %mul3A_208 : vector<800x768xf32>
    %add3A_210 = vector.broadcast %get3A_186 : vector<1x768xf32> to vector<800x768xf32>
    %add3A_211 = arith.addf %mul3A_209, %add3A_210 : vector<800x768xf32>
    %swap3A = arith.constant 0 : index
    %swap3A_212 = arith.constant 0 : index
    %swap3A_213 = vector.load %arg7[%swap3A, %swap3A_212] : memref<800x768xf32, #tpu.memory_space<vmem>>, vector<800x768xf32>
    tpu.vector_store %arg7[%swap3A, %swap3A_212], %add3A_211 {strides = array<i32>} : memref<800x768xf32, #tpu.memory_space<vmem>>, vector<800x768xf32>,
    return
  }
}

module attributes {stable_mosaic.version = 14 : i64} {
  func.func @_hash_kernel(%arg0: memref<800x768xf32, #tpu.memory_space<vmem>>, %arg1: memref<8x800xi32, #tpu.memory_space<vmem>>) attributes {dimension_semantics = [], scalar_prefetch = 0 : i64, scratch_operands = 0 : i64, tpu.core_type = #tpu.core_type<tc>} {
    %get3A = arith.constant 0 : index
    %get3A_0 = arith.constant 0 : index
    %get3A_1 = vector.load %arg0[%get3A, %get3A_0] : memref<800x768xf32, #tpu.memory_space<vmem>>, vector<800x768xf32>
    %bitcast_convert_type3A = tpu.bitcast %get3A_1 : vector<800x768xf32> -> vector<800x768xi32>
    %iota3A = tpu.iota {dimensions = array<i32: 1>} : vector<800x768xi32>
    %mul3A = arith.constant 2 : i32
    %mul3A_2 = vector.broadcast %mul3A : i32 to vector<800x768xi32>
    %mul3A_3 = arith.muli %iota3A, %mul3A_2 : vector<800x768xi32>
    %add3A = arith.constant 1 : i32
    %add3A_4 = vector.broadcast %add3A : i32 to vector<800x768xi32>
    %add3A_5 = arith.addi %mul3A_3, %add3A_4 : vector<800x768xi32>
    %add3A_6 = arith.constant 7 : i32
    %add3A_7 = vector.broadcast %add3A_6 : i32 to vector<800x768xi32>
    %add3A_8 = arith.addi %iota3A, %add3A_7 : vector<800x768xi32>
    %mul3A_9 = arith.constant -1640531527 : i32
    %mul3A_10 = vector.broadcast %mul3A_9 : i32 to vector<800x768xi32>
    %mul3A_11 = arith.muli %add3A_8, %mul3A_10 : vector<800x768xi32>
    %mul3A_12 = arith.constant 2 : i32
    %mul3A_13 = vector.broadcast %mul3A_12 : i32 to vector<800x768xi32>
    %mul3A_14 = arith.muli %mul3A_11, %mul3A_13 : vector<800x768xi32>
    %add3A_15 = arith.constant 1 : i32
    %add3A_16 = vector.broadcast %add3A_15 : i32 to vector<800x768xi32>
    %add3A_17 = arith.addi %mul3A_14, %add3A_16 : vector<800x768xi32>
    %mul3A_18 = arith.muli %bitcast_convert_type3A, %add3A_5 : vector<800x768xi32>
    %reduce_sum3A = arith.constant dense<0> : vector<800xi32>
    %reduce_sum3A_19 = vector.multi_reduction <add>, %mul3A_18, %reduce_sum3A [1] : vector<800x768xi32> to vector<800xi32>
    %mul3A_20 = arith.muli %bitcast_convert_type3A, %add3A_17 : vector<800x768xi32>
    %shift_right_arithmetic3A = arith.constant 7 : i32
    %shift_right_arithmetic3A_21 = vector.broadcast %shift_right_arithmetic3A : i32 to vector<800x768xi32>
    %shift_right_arithmetic3A_22 = arith.shrsi %bitcast_convert_type3A, %shift_right_arithmetic3A_21 : vector<800x768xi32>
    %add3A_23 = arith.addi %mul3A_20, %shift_right_arithmetic3A_22 : vector<800x768xi32>
    %reduce_sum3A_24 = arith.constant dense<0> : vector<800xi32>
    %reduce_sum3A_25 = vector.multi_reduction <add>, %add3A_23, %reduce_sum3A_24 [1] : vector<800x768xi32> to vector<800xi32>
    %iota3A_26 = tpu.iota {dimensions = array<i32: 0>} : vector<8x800xi32>
    %eq3A = arith.constant 0 : i32
    %eq3A_27 = vector.broadcast %eq3A : i32 to vector<8x800xi32>
    %eq3A_28 = arith.cmpi eq, %iota3A_26, %eq3A_27 : vector<8x800xi32>
    %broadcast_in_dim3A = vector.shape_cast %reduce_sum3A_19 : vector<800xi32> to vector<1x800xi32>
    %eq3A_29 = arith.constant 1 : i32
    %eq3A_30 = vector.broadcast %eq3A_29 : i32 to vector<8x800xi32>
    %eq3A_31 = arith.cmpi eq, %iota3A_26, %eq3A_30 : vector<8x800xi32>
    %broadcast_in_dim3A_32 = vector.shape_cast %reduce_sum3A_25 : vector<800xi32> to vector<1x800xi32>
    %jit3A = arith.constant 0 : i32
    %broadcast_in_dim3A_33 = vector.shape_cast %broadcast_in_dim3A_32 : vector<1x800xi32> to vector<1x800xi32>
    %broadcast_in_dim3A_34 = vector.broadcast %broadcast_in_dim3A_33 : vector<1x800xi32> to vector<8x800xi32>
    %broadcast_in_dim3A_35 = vector.broadcast %jit3A : i32 to vector<8x800xi32>
    %select_n3A = arith.select %eq3A_31, %broadcast_in_dim3A_34, %broadcast_in_dim3A_35 : vector<8x800xi1>, vector<8x800xi32>
    %broadcast_in_dim3A_36 = vector.shape_cast %broadcast_in_dim3A : vector<1x800xi32> to vector<1x800xi32>
    %broadcast_in_dim3A_37 = vector.broadcast %broadcast_in_dim3A_36 : vector<1x800xi32> to vector<8x800xi32>
    %select_n3A_38 = arith.select %eq3A_28, %broadcast_in_dim3A_37, %select_n3A : vector<8x800xi1>, vector<8x800xi32>
    %swap3A = arith.constant 0 : index
    %swap3A_39 = arith.constant 0 : index
    %swap3A_40 = vector.load %arg1[%swap3A, %swap3A_39] : memref<8x800xi32, #tpu.memory_space<vmem>>, vector<8x800xi32>
    tpu.vector_store %arg1[%swap3A, %swap3A_39], %select_n3A_38 {strides = array<i32>} : memref<8x800xi32, #tpu.memory_space<vmem>>, vector<8x800xi32>,
    return
  }
}

module attributes {stable_mosaic.version = 14 : i64} {
  func.func @_sim_kernel(%arg0: i32, %arg1: memref<128x768xf32, #tpu.memory_space<vmem>>, %arg2: memref<800x768xf32, #tpu.memory_space<vmem>>, %arg3: memref<128x800xf32, #tpu.memory_space<vmem>>) attributes {dimension_semantics = [#tpu.dimension_semantics<arbitrary>], iteration_bounds = array<i64: 2>, scalar_prefetch = 0 : i64, scratch_operands = 0 : i64, tpu.core_type = #tpu.core_type<tc>, window_params = [{transform_indices = @transform_0, window_bounds = array<i64: 128, 768>}, {pipeline_mode = #tpu.pipeline_mode<synchronous>, transform_indices = @transform_1, window_bounds = array<i64: 800, 768>}, {transform_indices = @transform_2, window_bounds = array<i64: 128, 800>}]} {
    %get3A = arith.constant 0 : index
    %get3A_0 = arith.constant 0 : index
    %get3A_1 = vector.load %arg2[%get3A, %get3A_0] : memref<800x768xf32, #tpu.memory_space<vmem>>, vector<800x768xf32>
    %mul3A = arith.mulf %get3A_1, %get3A_1 : vector<800x768xf32>
    %reduce_sum3A = arith.constant dense<0.000000e+00> : vector<800xf32>
    %reduce_sum3A_2 = vector.multi_reduction <add>, %mul3A, %reduce_sum3A [1] : vector<800x768xf32> to vector<800xf32>
    %sqrt3A = math.sqrt %reduce_sum3A_2 : vector<800xf32>
    %get3A_3 = arith.constant 0 : index
    %get3A_4 = arith.constant 0 : index
    %get3A_5 = vector.load %arg1[%get3A_3, %get3A_4] : memref<128x768xf32, #tpu.memory_space<vmem>>, vector<128x768xf32>
    %mul3A_6 = arith.mulf %get3A_5, %get3A_5 : vector<128x768xf32>
    %reduce_sum3A_7 = arith.constant dense<0.000000e+00> : vector<128xf32>
    %reduce_sum3A_8 = vector.multi_reduction <add>, %mul3A_6, %reduce_sum3A_7 [1] : vector<128x768xf32> to vector<128xf32>
    %sqrt3A_9 = math.sqrt %reduce_sum3A_8 : vector<128xf32>
    %dot_general3A = arith.constant dense<0.000000e+00> : vector<128x800xf32>
    %dot_general3A_10 = tpu.matmul %get3A_5, %get3A_1, %dot_general3A {dimension_numbers = #tpu.dot_dimension_numbers<[1], [1], [0], [0], [0, 0, 1, 0], [], []>, transpose_lhs_hint = false} : vector<128x768xf32>, vector<800x768xf32>, vector<128x800xf32> -> vector<128x800xf32>
    %broadcast_in_dim3A = vector.shape_cast %sqrt3A_9 : vector<128xf32> to vector<128x1xf32>
    %broadcast_in_dim3A_11 = vector.shape_cast %sqrt3A : vector<800xf32> to vector<1x800xf32>
    %mul3A_12 = vector.broadcast %broadcast_in_dim3A : vector<128x1xf32> to vector<128x800xf32>
    %mul3A_13 = vector.broadcast %broadcast_in_dim3A_11 : vector<1x800xf32> to vector<128x800xf32>
    %mul3A_14 = arith.mulf %mul3A_12, %mul3A_13 : vector<128x800xf32>
    %max3A = arith.constant 9.99999993E-9 : f32
    %max3A_15 = vector.broadcast %max3A : f32 to vector<128x800xf32>
    %max3A_16 = arith.maximumf %mul3A_14, %max3A_15 : vector<128x800xf32>
    %div3A = arith.divf %dot_general3A_10, %max3A_16 : vector<128x800xf32>
    %swap3A = arith.constant 0 : index
    %swap3A_17 = arith.constant 0 : index
    %swap3A_18 = vector.load %arg3[%swap3A, %swap3A_17] : memref<128x800xf32, #tpu.memory_space<vmem>>, vector<128x800xf32>
    tpu.vector_store %arg3[%swap3A, %swap3A_17], %div3A {strides = array<i32>} : memref<128x800xf32, #tpu.memory_space<vmem>>, vector<128x800xf32>,
    return
  }
  func.func @transform_0(%arg0: i32) -> (i32, i32) {
    %c0_i32 = arith.constant 0 : i32
    %c0_i32_0 = arith.constant 0 : i32
    return %arg0, %c0_i32 : i32, i32
  }
  func.func @transform_1(%arg0: i32) -> (i32, i32) {
    %c0_i32 = arith.constant 0 : i32
    %c0_i32_0 = arith.constant 0 : i32
    %c0_i32_1 = arith.constant 0 : i32
    return %c0_i32, %c0_i32_0 : i32, i32
  }
  func.func @transform_2(%arg0: i32) -> (i32, i32) {
    %c0_i32 = arith.constant 0 : i32
    %c0_i32_0 = arith.constant 0 : i32
    return %arg0, %c0_i32 : i32, i32
  }
}

module attributes {stable_mosaic.version = 14 : i64} {
  func.func @_rep_kernel(%arg0: i32, %arg1: memref<8x256xi32, #tpu.memory_space<vmem>>, %arg2: memref<8x800xi32, #tpu.memory_space<vmem>>, %arg3: memref<8x256xi32, #tpu.memory_space<vmem>>) attributes {dimension_semantics = [#tpu.dimension_semantics<arbitrary>], iteration_bounds = array<i64: 4>, scalar_prefetch = 0 : i64, scratch_operands = 0 : i64, tpu.core_type = #tpu.core_type<tc>, window_params = [{transform_indices = @transform_0, window_bounds = array<i64: 8, 256>}, {pipeline_mode = #tpu.pipeline_mode<synchronous>, transform_indices = @transform_1, window_bounds = array<i64: 8, 800>}, {transform_indices = @transform_2, window_bounds = array<i64: 8, 256>}]} {
    %get3A = arith.constant 0 : index
    %get3A_0 = arith.constant 0 : index
    %get3A_1 = vector.load %arg2[%get3A, %get3A_0] : memref<8x800xi32, #tpu.memory_space<vmem>>, vector<1x800xi32>
    %get3A_2 = vector.shape_cast %get3A_1 : vector<1x800xi32> to vector<800xi32>
    %broadcast_in_dim3A = vector.shape_cast %get3A_2 : vector<800xi32> to vector<1x800xi32>
    %get3A_3 = arith.constant 1 : index
    %get3A_4 = arith.constant 0 : index
    %get3A_5 = vector.load %arg2[%get3A_3, %get3A_4] : memref<8x800xi32, #tpu.memory_space<vmem>>, vector<1x800xi32>
    %get3A_6 = vector.shape_cast %get3A_5 : vector<1x800xi32> to vector<800xi32>
    %broadcast_in_dim3A_7 = vector.shape_cast %get3A_6 : vector<800xi32> to vector<1x800xi32>
    %get3A_8 = arith.constant 0 : index
    %get3A_9 = arith.constant 0 : index
    %get3A_10 = vector.load %arg1[%get3A_8, %get3A_9] : memref<8x256xi32, #tpu.memory_space<vmem>>, vector<1x256xi32>
    %get3A_11 = vector.shape_cast %get3A_10 : vector<1x256xi32> to vector<256xi32>
    %broadcast_in_dim3A_12 = vector.shape_cast %get3A_11 : vector<256xi32> to vector<256x1xi32>
    %get3A_13 = arith.constant 1 : index
    %get3A_14 = arith.constant 0 : index
    %get3A_15 = vector.load %arg1[%get3A_13, %get3A_14] : memref<8x256xi32, #tpu.memory_space<vmem>>, vector<1x256xi32>
    %get3A_16 = vector.shape_cast %get3A_15 : vector<1x256xi32> to vector<256xi32>
    %broadcast_in_dim3A_17 = vector.shape_cast %get3A_16 : vector<256xi32> to vector<256x1xi32>
    %eq3A = vector.broadcast %broadcast_in_dim3A_12 : vector<256x1xi32> to vector<256x800xi32>
    %eq3A_18 = vector.broadcast %broadcast_in_dim3A : vector<1x800xi32> to vector<256x800xi32>
    %eq3A_19 = arith.cmpi eq, %eq3A, %eq3A_18 : vector<256x800xi32>
    %eq3A_20 = vector.broadcast %broadcast_in_dim3A_17 : vector<256x1xi32> to vector<256x800xi32>
    %eq3A_21 = vector.broadcast %broadcast_in_dim3A_7 : vector<1x800xi32> to vector<256x800xi32>
    %eq3A_22 = arith.cmpi eq, %eq3A_20, %eq3A_21 : vector<256x800xi32>
    %and3A = arith.andi %eq3A_19, %eq3A_22 : vector<256x800xi1>
    %iota3A = tpu.iota {dimensions = array<i32: 1>} : vector<256x800xi32>
    %jit3A = arith.constant 800 : i32
    %broadcast_in_dim3A_23 = vector.broadcast %jit3A : i32 to vector<256x800xi32>
    %select_n3A = arith.select %and3A, %iota3A, %broadcast_in_dim3A_23 : vector<256x800xi1>, vector<256x800xi32>
    %reduce_min3A = arith.constant dense<2147483647> : vector<256xi32>
    %reduce_min3A_24 = vector.multi_reduction <minsi>, %select_n3A, %reduce_min3A [1] : vector<256x800xi32> to vector<256xi32>
    %iota3A_25 = tpu.iota {dimensions = array<i32: 0>} : vector<8x256xi32>
    %eq3A_26 = arith.constant 0 : i32
    %eq3A_27 = vector.broadcast %eq3A_26 : i32 to vector<8x256xi32>
    %eq3A_28 = arith.cmpi eq, %iota3A_25, %eq3A_27 : vector<8x256xi32>
    %broadcast_in_dim3A_29 = vector.shape_cast %reduce_min3A_24 : vector<256xi32> to vector<1x256xi32>
    %jit3A_30 = arith.constant 0 : i32
    %broadcast_in_dim3A_31 = vector.shape_cast %broadcast_in_dim3A_29 : vector<1x256xi32> to vector<1x256xi32>
    %broadcast_in_dim3A_32 = vector.broadcast %broadcast_in_dim3A_31 : vector<1x256xi32> to vector<8x256xi32>
    %broadcast_in_dim3A_33 = vector.broadcast %jit3A_30 : i32 to vector<8x256xi32>
    %select_n3A_34 = arith.select %eq3A_28, %broadcast_in_dim3A_32, %broadcast_in_dim3A_33 : vector<8x256xi1>, vector<8x256xi32>
    %swap3A = arith.constant 0 : index
    %swap3A_35 = arith.constant 0 : index
    %swap3A_36 = vector.load %arg3[%swap3A, %swap3A_35] : memref<8x256xi32, #tpu.memory_space<vmem>>, vector<8x256xi32>
    tpu.vector_store %arg3[%swap3A, %swap3A_35], %select_n3A_34 {strides = array<i32>} : memref<8x256xi32, #tpu.memory_space<vmem>>, vector<8x256xi32>,
    return
  }
  func.func @transform_0(%arg0: i32) -> (i32, i32) {
    %c0_i32 = arith.constant 0 : i32
    %c0_i32_0 = arith.constant 0 : i32
    return %c0_i32, %arg0 : i32, i32
  }
  func.func @transform_1(%arg0: i32) -> (i32, i32) {
    %c0_i32 = arith.constant 0 : i32
    %c0_i32_0 = arith.constant 0 : i32
    %c0_i32_1 = arith.constant 0 : i32
    return %c0_i32, %c0_i32_0 : i32, i32
  }
  func.func @transform_2(%arg0: i32) -> (i32, i32) {
    %c0_i32 = arith.constant 0 : i32
    %c0_i32_0 = arith.constant 0 : i32
    return %c0_i32, %arg0 : i32, i32
  }
}

module attributes {stable_mosaic.version = 14 : i64} {
  func.func @_select_kernel(%arg0: i32, %arg1: memref<128x800xf32, #tpu.memory_space<vmem>>, %arg2: memref<8x128xi32, #tpu.memory_space<vmem>>) attributes {dimension_semantics = [#tpu.dimension_semantics<arbitrary>], iteration_bounds = array<i64: 2>, scalar_prefetch = 0 : i64, scratch_operands = 0 : i64, tpu.core_type = #tpu.core_type<tc>, window_params = [{transform_indices = @transform_0, window_bounds = array<i64: 128, 800>}, {transform_indices = @transform_1, window_bounds = array<i64: 8, 128>}]} {
    %get3A = arith.constant 0 : index
    %get3A_0 = arith.constant 0 : index
    %get3A_1 = vector.load %arg1[%get3A, %get3A_0] : memref<128x800xf32, #tpu.memory_space<vmem>>, vector<128x800xf32>
    %iota3A = tpu.iota {dimensions = array<i32: 1>} : vector<128x800xi32>
    %reduce_max3A = arith.constant dense<0xFF800000> : vector<128xf32>
    %reduce_max3A_2 = vector.multi_reduction <maximumf>, %get3A_1, %reduce_max3A [1] : vector<128x800xf32> to vector<128xf32>
    %broadcast_in_dim3A = vector.shape_cast %reduce_max3A_2 : vector<128xf32> to vector<128x1xf32>
    %eq3A = vector.broadcast %broadcast_in_dim3A : vector<128x1xf32> to vector<128x800xf32>
    %eq3A_3 = arith.cmpf oeq, %get3A_1, %eq3A : vector<128x800xf32>
    %jit3A = arith.constant 801 : i32
    %broadcast_in_dim3A_4 = vector.broadcast %jit3A : i32 to vector<128x800xi32>
    %select_n3A = arith.select %eq3A_3, %iota3A, %broadcast_in_dim3A_4 : vector<128x800xi1>, vector<128x800xi32>
    %reduce_min3A = arith.constant dense<2147483647> : vector<128xi32>
    %reduce_min3A_5 = vector.multi_reduction <minsi>, %select_n3A, %reduce_min3A [1] : vector<128x800xi32> to vector<128xi32>
    %broadcast_in_dim3A_6 = vector.shape_cast %reduce_min3A_5 : vector<128xi32> to vector<128x1xi32>
    %eq3A_7 = vector.broadcast %broadcast_in_dim3A_6 : vector<128x1xi32> to vector<128x800xi32>
    %eq3A_8 = arith.cmpi eq, %iota3A, %eq3A_7 : vector<128x800xi32>
    %jit3A_9 = arith.constant 0xFF800000 : f32
    %broadcast_in_dim3A_10 = vector.broadcast %jit3A_9 : f32 to vector<128x800xf32>
    %select_n3A_11 = arith.select %eq3A_8, %broadcast_in_dim3A_10, %get3A_1 : vector<128x800xi1>, vector<128x800xf32>
    %reduce_max3A_12 = arith.constant dense<0xFF800000> : vector<128xf32>
    %reduce_max3A_13 = vector.multi_reduction <maximumf>, %select_n3A_11, %reduce_max3A_12 [1] : vector<128x800xf32> to vector<128xf32>
    %broadcast_in_dim3A_14 = vector.shape_cast %reduce_max3A_13 : vector<128xf32> to vector<128x1xf32>
    %eq3A_15 = vector.broadcast %broadcast_in_dim3A_14 : vector<128x1xf32> to vector<128x800xf32>
    %eq3A_16 = arith.cmpf oeq, %select_n3A_11, %eq3A_15 : vector<128x800xf32>
    %jit3A_17 = arith.constant 801 : i32
    %broadcast_in_dim3A_18 = vector.broadcast %jit3A_17 : i32 to vector<128x800xi32>
    %select_n3A_19 = arith.select %eq3A_16, %iota3A, %broadcast_in_dim3A_18 : vector<128x800xi1>, vector<128x800xi32>
    %reduce_min3A_20 = arith.constant dense<2147483647> : vector<128xi32>
    %reduce_min3A_21 = vector.multi_reduction <minsi>, %select_n3A_19, %reduce_min3A_20 [1] : vector<128x800xi32> to vector<128xi32>
    %iota3A_22 = tpu.iota {dimensions = array<i32: 0>} : vector<8x128xi32>
    %eq3A_23 = arith.constant 0 : i32
    %eq3A_24 = vector.broadcast %eq3A_23 : i32 to vector<8x128xi32>
    %eq3A_25 = arith.cmpi eq, %iota3A_22, %eq3A_24 : vector<8x128xi32>
    %broadcast_in_dim3A_26 = vector.shape_cast %reduce_min3A_5 : vector<128xi32> to vector<1x128xi32>
    %eq3A_27 = arith.constant 1 : i32
    %eq3A_28 = vector.broadcast %eq3A_27 : i32 to vector<8x128xi32>
    %eq3A_29 = arith.cmpi eq, %iota3A_22, %eq3A_28 : vector<8x128xi32>
    %broadcast_in_dim3A_30 = vector.shape_cast %reduce_min3A_21 : vector<128xi32> to vector<1x128xi32>
    %jit3A_31 = arith.constant 0 : i32
    %broadcast_in_dim3A_32 = vector.shape_cast %broadcast_in_dim3A_30 : vector<1x128xi32> to vector<1x128xi32>
    %broadcast_in_dim3A_33 = vector.broadcast %broadcast_in_dim3A_32 : vector<1x128xi32> to vector<8x128xi32>
    %broadcast_in_dim3A_34 = vector.broadcast %jit3A_31 : i32 to vector<8x128xi32>
    %select_n3A_35 = arith.select %eq3A_29, %broadcast_in_dim3A_33, %broadcast_in_dim3A_34 : vector<8x128xi1>, vector<8x128xi32>
    %broadcast_in_dim3A_36 = vector.shape_cast %broadcast_in_dim3A_26 : vector<1x128xi32> to vector<1x128xi32>
    %broadcast_in_dim3A_37 = vector.broadcast %broadcast_in_dim3A_36 : vector<1x128xi32> to vector<8x128xi32>
    %select_n3A_38 = arith.select %eq3A_25, %broadcast_in_dim3A_37, %select_n3A_35 : vector<8x128xi1>, vector<8x128xi32>
    %swap3A = arith.constant 0 : index
    %swap3A_39 = arith.constant 0 : index
    %swap3A_40 = vector.load %arg2[%swap3A, %swap3A_39] : memref<8x128xi32, #tpu.memory_space<vmem>>, vector<8x128xi32>
    tpu.vector_store %arg2[%swap3A, %swap3A_39], %select_n3A_38 {strides = array<i32>} : memref<8x128xi32, #tpu.memory_space<vmem>>, vector<8x128xi32>,
    return
  }
  func.func @transform_0(%arg0: i32) -> (i32, i32) {
    %c0_i32 = arith.constant 0 : i32
    %c0_i32_0 = arith.constant 0 : i32
    return %arg0, %c0_i32 : i32, i32
  }
  func.func @transform_1(%arg0: i32) -> (i32, i32) {
    %c0_i32 = arith.constant 0 : i32
    %c0_i32_0 = arith.constant 0 : i32
    return %c0_i32, %arg0 : i32, i32
  }
}

module attributes {stable_mosaic.version = 14 : i64} {
  func.func @_ffn_ln_kernel(%arg0: memref<600x768xf32, #tpu.memory_space<vmem>>, %arg1: memref<3072x768xf32, #tpu.memory_space<vmem>>, %arg2: memref<1x3072xf32, #tpu.memory_space<vmem>>, %arg3: memref<768x3072xf32, #tpu.memory_space<vmem>>, %arg4: memref<1x768xf32, #tpu.memory_space<vmem>>, %arg5: memref<1x768xf32, #tpu.memory_space<vmem>>, %arg6: memref<1x768xf32, #tpu.memory_space<vmem>>, %arg7: memref<600x768xf32, #tpu.memory_space<vmem>>) attributes {dimension_semantics = [], scalar_prefetch = 0 : i64, scratch_operands = 0 : i64, tpu.core_type = #tpu.core_type<tc>} {
    %get3A = arith.constant 0 : index
    %get3A_0 = arith.constant 0 : index
    %get3A_1 = vector.load %arg0[%get3A, %get3A_0] : memref<600x768xf32, #tpu.memory_space<vmem>>, vector<600x768xf32>
    %get3A_2 = arith.constant 0 : index
    %get3A_3 = arith.constant 0 : index
    %get3A_4 = vector.load %arg1[%get3A_2, %get3A_3] : memref<3072x768xf32, #tpu.memory_space<vmem>>, vector<3072x768xf32>
    %dot_general3A = arith.constant dense<0.000000e+00> : vector<600x3072xf32>
    %dot_general3A_5 = tpu.matmul %get3A_1, %get3A_4, %dot_general3A {dimension_numbers = #tpu.dot_dimension_numbers<[1], [1], [0], [0], [0, 0, 1, 0], [], []>, transpose_lhs_hint = false} : vector<600x768xf32>, vector<3072x768xf32>, vector<600x3072xf32> -> vector<600x3072xf32>
    %get3A_6 = arith.constant 0 : index
    %get3A_7 = arith.constant 0 : index
    %get3A_8 = vector.load %arg2[%get3A_6, %get3A_7] : memref<1x3072xf32, #tpu.memory_space<vmem>>, vector<1x3072xf32>
    %add3A = vector.broadcast %get3A_8 : vector<1x3072xf32> to vector<600x3072xf32>
    %add3A_9 = arith.addf %dot_general3A_5, %add3A : vector<600x3072xf32>
    %mul3A = arith.constant 5.000000e-01 : f32
    %mul3A_10 = vector.broadcast %mul3A : f32 to vector<600x3072xf32>
    %mul3A_11 = arith.mulf %mul3A_10, %add3A_9 : vector<600x3072xf32>
    %mul3A_12 = arith.constant 0.707106769 : f32
    %mul3A_13 = vector.broadcast %mul3A_12 : f32 to vector<600x3072xf32>
    %mul3A_14 = arith.mulf %add3A_9, %mul3A_13 : vector<600x3072xf32>
    %erf3A = math.erf %mul3A_14 : vector<600x3072xf32>
    %add3A_15 = arith.constant 1.000000e+00 : f32
    %add3A_16 = vector.broadcast %add3A_15 : f32 to vector<600x3072xf32>
    %add3A_17 = arith.addf %add3A_16, %erf3A : vector<600x3072xf32>
    %mul3A_18 = arith.mulf %mul3A_11, %add3A_17 : vector<600x3072xf32>
    %get3A_19 = arith.constant 0 : index
    %get3A_20 = arith.constant 0 : index
    %get3A_21 = vector.load %arg3[%get3A_19, %get3A_20] : memref<768x3072xf32, #tpu.memory_space<vmem>>, vector<768x3072xf32>
    %dot_general3A_22 = arith.constant dense<0.000000e+00> : vector<600x768xf32>
    %dot_general3A_23 = tpu.matmul %mul3A_18, %get3A_21, %dot_general3A_22 {dimension_numbers = #tpu.dot_dimension_numbers<[1], [1], [0], [0], [0, 0, 1, 0], [], []>, transpose_lhs_hint = false} : vector<600x3072xf32>, vector<768x3072xf32>, vector<600x768xf32> -> vector<600x768xf32>
    %get3A_24 = arith.constant 0 : index
    %get3A_25 = arith.constant 0 : index
    %get3A_26 = vector.load %arg4[%get3A_24, %get3A_25] : memref<1x768xf32, #tpu.memory_space<vmem>>, vector<1x768xf32>
    %add3A_27 = vector.broadcast %get3A_26 : vector<1x768xf32> to vector<600x768xf32>
    %add3A_28 = arith.addf %dot_general3A_23, %add3A_27 : vector<600x768xf32>
    %add3A_29 = arith.addf %get3A_1, %add3A_28 : vector<600x768xf32>
    %get3A_30 = arith.constant 0 : index
    %get3A_31 = arith.constant 0 : index
    %get3A_32 = vector.load %arg5[%get3A_30, %get3A_31] : memref<1x768xf32, #tpu.memory_space<vmem>>, vector<1x768xf32>
    %get3A_33 = arith.constant 0 : index
    %get3A_34 = arith.constant 0 : index
    %get3A_35 = vector.load %arg6[%get3A_33, %get3A_34] : memref<1x768xf32, #tpu.memory_space<vmem>>, vector<1x768xf32>
    %reduce_sum3A = arith.constant dense<0.000000e+00> : vector<600xf32>
    %reduce_sum3A_36 = vector.multi_reduction <add>, %add3A_29, %reduce_sum3A [1] : vector<600x768xf32> to vector<600xf32>
    %broadcast_in_dim3A = vector.shape_cast %reduce_sum3A_36 : vector<600xf32> to vector<600x1xf32>
    %div3A = arith.constant 7.680000e+02 : f32
    %div3A_37 = vector.broadcast %div3A : f32 to vector<600x1xf32>
    %div3A_38 = arith.divf %broadcast_in_dim3A, %div3A_37 : vector<600x1xf32>
    %sub3A = vector.broadcast %div3A_38 : vector<600x1xf32> to vector<600x768xf32>
    %sub3A_39 = arith.subf %add3A_29, %sub3A : vector<600x768xf32>
    %integer_pow3A = arith.mulf %sub3A_39, %sub3A_39 : vector<600x768xf32>
    %reduce_sum3A_40 = arith.constant dense<0.000000e+00> : vector<600xf32>
    %reduce_sum3A_41 = vector.multi_reduction <add>, %integer_pow3A, %reduce_sum3A_40 [1] : vector<600x768xf32> to vector<600xf32>
    %broadcast_in_dim3A_42 = vector.shape_cast %reduce_sum3A_41 : vector<600xf32> to vector<600x1xf32>
    %div3A_43 = arith.constant 7.680000e+02 : f32
    %div3A_44 = vector.broadcast %div3A_43 : f32 to vector<600x1xf32>
    %div3A_45 = arith.divf %broadcast_in_dim3A_42, %div3A_44 : vector<600x1xf32>
    %sub3A_46 = vector.broadcast %div3A_38 : vector<600x1xf32> to vector<600x768xf32>
    %sub3A_47 = arith.subf %add3A_29, %sub3A_46 : vector<600x768xf32>
    %add3A_48 = arith.constant 9.99999974E-6 : f32
    %add3A_49 = vector.broadcast %add3A_48 : f32 to vector<600x1xf32>
    %add3A_50 = arith.addf %div3A_45, %add3A_49 : vector<600x1xf32>
    %sqrt3A = math.sqrt %add3A_50 : vector<600x1xf32>
    %div3A_51 = vector.broadcast %sqrt3A : vector<600x1xf32> to vector<600x768xf32>
    %div3A_52 = arith.divf %sub3A_47, %div3A_51 : vector<600x768xf32>
    %mul3A_53 = vector.broadcast %get3A_32 : vector<1x768xf32> to vector<600x768xf32>
    %mul3A_54 = arith.mulf %div3A_52, %mul3A_53 : vector<600x768xf32>
    %add3A_55 = vector.broadcast %get3A_35 : vector<1x768xf32> to vector<600x768xf32>
    %add3A_56 = arith.addf %mul3A_54, %add3A_55 : vector<600x768xf32>
    %swap3A = arith.constant 0 : index
    %swap3A_57 = arith.constant 0 : index
    %swap3A_58 = vector.load %arg7[%swap3A, %swap3A_57] : memref<600x768xf32, #tpu.memory_space<vmem>>, vector<600x768xf32>
    tpu.vector_store %arg7[%swap3A, %swap3A_57], %add3A_56 {strides = array<i32>} : memref<600x768xf32, #tpu.memory_space<vmem>>, vector<600x768xf32>,
    return
  }
}

</mosaic_0001>

<sc_bundles>
// kernel: gather_offload_async_start
scs
__scs_entry_jumppad:
0x0: {  	(pc) =	sbr.rel $0x88, $3  }
0x1: {  	(tag) =	ssettag $0x0;
	lr =	simm.s32 $0x1  }
0x2: {  	[smem:$0x3F94] =	sst lr;
	_ =	strace $0xD0000000  }
0x3: {  	_ = 	snop  }
0x4: {  	_ = 	snop  }
0x5: {  	_ = 	snop  }
0x6: {  	_ = 	snop  }
0x7: {  	_ = 	snop  }
__scs_overlays_trampoline_lowered:
0x8: {  	[smem:$0x3FA3] =	sst s0  }
0x9: {  	[smem:$0x3FA4] =	sst s1  }
0xa: {  	[smem:$0x3FA5] =	sst s2  }
0xb: {  	[smem:$0x3FA6] =	sst s3  }
0xc: {  	[smem:$0x3FA7] =	sst s4  }
0xd: {  	[smem:$0x3FA8] =	sst s5  }
0xe: {  	[smem:$0x3FA9] =	sst s6  }
0xf: {  	[smem:$0x3FAA] =	sst s7  }
0x10: {  	[smem:$0x3FAB] =	sst s8  }
0x11: {  	[smem:$0x3FAC] =	sst s9;
	s0 =	simm.s32 @!p0 $0x0  }
0x12: {  	s1 =	sld [smem:$0x3F92];
	s0 =	simm.s32 @p0 $0x1  }
0x13: {  	[smem:$0x3FAD] =	sst s0;
	s0 =	simm.s32 @!p1 $0x0  }
0x14: {  	s2 =	sld [smem:$0x3F91];
	s0 =	simm.s32 @p1 $0x1  }
0x15: {  	[smem:$0x3FAE] =	sst s0;
	s0 =	simm.s32 @!p2 $0x0  }
0x16: {  	s3 =	sld [smem:$0x3FDB];
	s0 =	simm.s32 @p2 $0x1  }
0x17: {  	s4 =	simm.s32 $0x1BF5;
	[smem:$0x3FB0] =	sst s0  }
0x18: {  	s0 =	sld [smem:$0x3F93];
	_ =	swait.ge [sflag:s4], $0x0  }
0x19: {  	s7 =	sld [smem:$0x3F94]  }
0x1a: {  	s8 =	sadd.s32 $0xFFFFE003, lr  }
0x1b: {  	s9 =	sadd.s32 $0xFFFFFEF7, lr;
	s5 =	simm.s32 $0xFFFFFFFF;
	p2 =	slt.u32 s8, $0xFFFFF086  }
0x1c: {  	p1 =	slt.u32 s9, $0xF7A;
	s5 =	simm.s32 @!p2 $0x0  }
0x1d: {  	s5 =	simm.s32 @p1 $0x1;
	p0 =	seq.s32 s7, s2  }
0x1e: {  	s7 =	smul.u32 @!p0 $0xF7A, s2;
	p2 =	seq.s32 @!p0 s5, $0x0  }
0x1f: {  	s9 =	smul.u32 $0xF7A, s1;
	s8 =	simm.s32 @!p0 $0x1BF5;
	p2 =	por !p2, p0  }
0x20: {  	[sflag:s8] =	ssyncset.s32 @!p0 $0xFFFFF086;
	s6 =	sadd.s32 @!p0 s3, s7;
	s7 =	simm.s32 @!p0 $0x108  }
0x21: {  	s3 =	sadd.s32 s3, s9;
	s6 =	sadd.s32 @!p0 $0x88, s6;
	s7 =	simm.s32 @p2 $0x1082  }
0x22: {  	[simem:s7], [sflag:s8] =	dma.local @!p0 [hbm:s6], $0xF7A  }
0x23: {  	s9 =	sor.u32 $0xD0000000, s2;
	s6 =	simm.s32 $0x108;
	_ =	swait.ge @!p0 [sflag:s8], $0x0  }
0x24: {  	s3 =	sadd.s32 $0x88, s3;
	s6 =	simm.s32 @!p1 $0x1082;
	[sflag:s4] =	ssyncset.s32 $0xFFFFF086  }
0x25: {  	[simem:s6], [sflag:s4] =	dma.local [hbm:s3], $0xF7A  }
0x26: {  	[smem:$0x3F94] =	sst s1;
	(tag) =	ssettag s2;
	_ =	strace s9  }
0x27: {  	s1 =	sld [smem:$0x3FA4]  }
0x28: {  	s2 =	sld [smem:$0x3FA5]  }
0x29: {  	s4 =	sld [smem:$0x3FA7]  }
0x2a: {  	p0 =	seq.s32 s5, $0x0;
	s5 =	sld [smem:$0x3FA8]  }
0x2b: {  	s6 =	sld [smem:$0x3FA9]  }
0x2c: {  	s7 =	sld [smem:$0x3FAA]  }
0x2d: {  	s3 =	simm.s32 $0x108;
	s8 =	sld [smem:$0x3FAB]  }
0x2e: {  	s3 =	simm.s32 @!p0 $0x1082;
	s9 =	sld [smem:$0x3FAC]  }
0x2f: {  	lr =	sadd.s32 s0, s3;
	s0 =	sld [smem:$0x3FA3]  }
0x30: {  	s3 =	sld [smem:$0x3FA6]  }
0x31: {  	[smem:$0x3FAF] =	sst s10  }
0x32: {  	s10 =	sld [smem:$0x3FAD];
	_ =	sdelay $0x3  }
0x33: {  	p0 =	seq.s32 s10, $0x1;
	s10 =	sld [smem:$0x3FAF];
	_ =	sdelay $0x3  }
0x34: {  	[smem:$0x3FAF] =	sst s10  }
0x35: {  	s10 =	sld [smem:$0x3FAE];
	_ =	sdelay $0x3  }
0x36: {  	p1 =	seq.s32 s10, $0x1;
	s10 =	sld [smem:$0x3FAF];
	_ =	sdelay $0x3  }
0x37: {  	[smem:$0x3FAF] =	sst s10  }
0x38: {  	s10 =	sld [smem:$0x3FB0]  }
0x39: {  	_ = 	snop;
	(pc) =	sbr.ind lr, $3  }
0x3a: {  	_ = 	snop  }
0x3b: {  	_ = 	snop  }
0x3c: {  	p2 =	seq.s32 s10, $0x1;
	s10 =	sld [smem:$0x3FAF]  }
0x3d: {  	_ =	shalt  }
0x3e: {  	_ =	shalt  }
0x3f: {  	_ =	shalt  }
0x40: {  	_ =	shalt  }
0x41: {  	_ =	shalt  }
0x42: {  	_ =	shalt  }
0x43: {  	_ =	shalt  }
0x44: {  	_ =	shalt  }
0x45: {  	_ =	shalt  }
0x46: {  	_ =	shalt  }
0x47: {  	_ =	shalt  }
0x48: {  	_ =	shalt  }
0x49: {  	_ =	shalt  }
0x4a: {  	_ =	shalt  }
0x4b: {  	_ =	shalt  }
0x4c: {  	_ =	shalt  }
0x4d: {  	_ =	shalt  }
0x4e: {  	_ =	shalt  }
0x4f: {  	_ =	shalt  }
0x50: {  	_ =	shalt  }
0x51: {  	_ =	shalt  }
0x52: {  	_ =	shalt  }
0x53: {  	_ =	shalt  }
0x54: {  	_ =	shalt  }
0x55: {  	_ =	shalt  }
0x56: {  	_ =	shalt  }
0x57: {  	_ =	shalt  }
0x58: {  	_ =	shalt  }
0x59: {  	_ =	shalt  }
0x5a: {  	_ =	shalt  }
0x5b: {  	_ =	shalt  }
0x5c: {  	_ =	shalt  }
0x5d: {  	_ =	shalt  }
0x5e: {  	_ =	shalt  }
0x5f: {  	_ =	shalt  }
0x60: {  	_ =	shalt  }
0x61: {  	_ =	shalt  }
0x62: {  	_ =	shalt  }
0x63: {  	_ =	shalt  }
0x64: {  	_ =	shalt  }
0x65: {  	_ =	shalt  }
0x66: {  	_ =	shalt  }
0x67: {  	_ =	shalt  }
0x68: {  	_ =	shalt  }
0x69: {  	_ =	shalt  }
0x6a: {  	_ =	shalt  }
0x6b: {  	_ =	shalt  }
0x6c: {  	_ =	shalt  }
0x6d: {  	_ =	shalt  }
0x6e: {  	_ =	shalt  }
0x6f: {  	_ =	shalt  }
0x70: {  	_ =	shalt  }
0x71: {  	_ =	shalt  }
0x72: {  	_ =	shalt  }
0x73: {  	_ =	shalt  }
0x74: {  	_ =	shalt  }
0x75: {  	_ =	shalt  }
0x76: {  	_ =	shalt  }
0x77: {  	_ =	shalt  }
0x78: {  	_ =	shalt  }
0x79: {  	_ =	shalt  }
0x7a: {  	_ =	shalt  }
0x7b: {  	_ =	shalt  }
0x7c: {  	_ =	shalt  }
0x7d: {  	_ =	shalt  }
0x7e: {  	_ =	shalt  }
0x7f: {  	_ =	shalt  }
0x80: {  	_ =	shalt  }
0x81: {  	_ =	shalt  }
0x82: {  	_ =	shalt  }
0x83: {  	_ =	shalt  }
0x84: {  	_ =	shalt  }
0x85: {  	_ =	shalt  }
0x86: {  	_ =	shalt  }
0x87: {  	_ =	shalt  }
.Lfunc_end0:
.L_simem_size_0:
called_computation_lowered:
.L_overlay_start_0:
0x88: {  	s2 =	sld [smem:$0x3FD9]  }
0x89: {  	s3 =	sld [smem:$0x3FFE];
	_ =	sdelay $0x1  }
0x8a: {  	s1 =	srdreg.scid  }
0x8b: {  	s0 =	sand.u32 $0x1, s1  }
0x8c: {  	s17 =	sshll.u32 s0, $0xA;
	s2 =	sadd.s32 s3, s2  }
0x8d: {  	s2 =	sadd.s32 s2, s17  }
0x8e: {  	[smem:$0x3FBB] =	sst s2  }
0x8f: {  	_ = 	snop  }
0x90: {  	s2 =	sld [smem:$0x3FD0];
	(tm) =	ssettm $0x1  }
0x91: {  	s18 =	sld [smem:$0x3FFB];
	_ =	sdelay $0x3  }
0x92: {  	_ =	strace s18  }
0x93: {  	s3 =	sld [smem:$0x3FFC];
	_ =	sdelay $0x3  }
0x94: {  	_ =	strace s3  }
0x95: {  	s3 =	sld [smem:$0x3FFD];
	_ =	sdelay $0x3  }
0x96: {  	_ =	strace s3  }
0x97: {  	_ =	strace $0x8FFFFFFF  }
0x98: {  	s19 =	sld [smem:$0x3FDB];
	_ =	sdelay $0x1  }
0x99: {  	s4 =	simm.s32 $_scs_section_size  }
0x9a: {  	s5 =	simm.s32 $_size__tile_overlayer_lowered;
	s6 =	simm.s32 $_tile_overlayer_lowered  }
0x9b: {  	s22 =	simm.s32 $0x1BFF;
	s21 =	sshll.u32 s6, $0x1;
	s3 =	sadd.s32 s4, s19  }
0x9c: {  	s7 =	simm.s32 $0x0;
	s20 =	sshll.u32 s5, $0x1;
	s5 =	sadd.s32 s21, s3  }
0x9d: {  	[timem:s7], [sflag:s22] =	dma.local [hbm:s5], s20  }
0x9e: {  	_ =	swait.ge [sflag:s22], s20  }
0x9f: {  	s4 =	ssub.s32 $0x0, s20;
	[sflag:s22] =	ssyncset.done $0x0  }
0xa0: {  	[sflag:s22] =	ssyncadd.s32 s4;
	_ =	sdelay $0x1  }
0xa1: {  	s23 =	simm.s32 $0x1B8B  }
0xa2: {  	_ =	swait.ge [sflag:s23], $0x1  }
0xa3: {  	[sflag:s23] =	ssyncset.done $0x0  }
0xa4: {  	s25 =	simm.s32 $0x1B8E;
	s24 =	sld [smem:$0x3FFE];
	[sflag:s23] =	ssyncadd.s32 $0xFFFFFFFF  }
0xa5: {  	s26 =	simm.s32 $execute0_lowered;
	[smem:$0x3FD2] =	sst s25  }
0xa6: {  	s5 =	sshll.u32 s26, $0x1;
	_ =	strace $0x80000049;
	[dreg:$0x1] =	wrdreg $0xFFFFFFFF  }
0xa7: {  	s28 =	simm.s32 $_size_execute0_lowered;
	s3 =	sadd.s32 s3, s5;
	[dreg:$0x0] =	wrdreg $0x0  }
0xa8: {  	s5 =	sshll.u32 s28, $0x1;
	[dreg:$0x2] =	wrdreg s3  }
0xa9: {  	[dreg:$0x3] =	wrdreg s5  }
0xaa: {  	[dreg:$0x4] =	wrdreg $0xC0  }
0xab: {  	_ =	task [dreg:s7], $0x5FFFF  }
0xac: {  	[dreg:$0x1] =	wrdreg $0xFFFFFFFF  }
0xad: {  	[dreg:$0x0] =	wrdreg $0x60  }
0xae: {  	[dreg:$0x2] =	wrdreg s24  }
0xaf: {  	[dreg:$0x3] =	wrdreg s2  }
0xb0: {  	[dreg:$0x4] =	wrdreg $0x9  }
0xb1: {  	_ =	task.clear_ibuf [dreg:s7], $0x5FFFF;
	_ =	strace $0x90000049  }
0xb2: {  	s29 =	simm.s32 $0x9;
	_ =	strace $0x8000004B  }
0xb3: {  	_ =	swait.ge [sflag:s29], $0x1  }
0xb4: {  	[sflag:s29] =	ssyncadd.s32 $0xFFFFFFFF  }
0xb5: {  	_ =	strace $0x9000004B  }
0xb6: {  	_ =	sfence  }
0xb7: {  	s30 =	sld [smem:$0x0];
	_ =	sdelay $0x2  }
0xb8: {  	s31 =	sshll.u32 s1, $0xD;
	s1 =	sshrl.u32 s1, $0x2  }
0xb9: {  	s3 =	sand.u32 $0x4000, s31;
	s1 =	sadd.s32 s1, s30  }
0xba: {  	s0 =	sor.u32 s3, s0;
	s1 =	sshll.u32 s1, $0x11  }
0xbb: {  	s0 =	sor.u32 s1, s0  }
0xbc: {  	s0 =	sadd.s32 $0x8F2B, s0  }
0xbd: {  	[sflag:s0] =	ssyncadd.remote.s32 $0x1  }
0xbe: {  	_ =	sfence.sel $0xFFFF  }
0xbf: {  	[dreg:$0x0] =	wrdreg $0xFFFFFFFF;
	(pc) =	sbr.abs _section_cstart, $3  }
0xc0: {  	[dreg:$0x1] =	wrdreg $0xFFFFFFFF  }
0xc1: {  	_ =	task.clear_ibuf [dreg:s7], $0x2FFFF;
	_ =	strace $0x9FFFFFFF  }
0xc2: {  	(tm) =	ssettm $0x7FFFFFFF  }
0xc3: {  	_ =	shalt  }
tec
execute0_lowered:
.L_overlay_start_1:
0x0: {  	(tag) =	ssettag $0x1  }
0x1: {  	s0 =	srdreg.scid  }
0x2: {  	s1 =	sshll.u32 s0, $0x4  }
0x3: {  	s0 =	stileid.u32;
	s1 =	sand.u32 $0x10, s1  }
0x4: {  	s9 =	rddreg [dreg:$0x0];
	s1 =	sor.u32 s0, s1  }
0x5: {  	s3 =	rddreg [dreg:$0x1];
	s2 =	smin.u32 s1, $0x12  }
0x6: {  	p0 =	slt.u32 s1, $0x12;
	s2 =	sadd.s32 s1, s2;
	s1 =	simm.s32 $0x40  }
0x7: {  	s6 =	simm.s32 $0x1;
	s2 =	sshll.u32 s2, $0x5;
	s1 =	simm.s32 @!p0 $0x20  }
0x8: {  	s7 =	simm.s32 $0x2;
	s10 =	simm.s32 $0x3;
	s4 =	sadd.s32 s1, s2  }
0x9: {  	s13 =	simm.s32 $0x0;
	s12 =	simm.s32 $0x0;
	s4 =	smin.u32 s4, $0x640  }
.Ltmp0:
0xa: {  	s5 =	sadd.s32 $0x2C00, s9;
	s8 =	ssub.s32 s4, s2;
	(pc) =	sbr.rel .LBB2_1-.Ltmp0, $4  }
0xb: {  	s1 =	rddreg [dreg:$0x2];
	_ =	strace $0x8000004A;
	p0 =	sgt.s32 s8, $0x0  }
0xc: {  	s9 =	sadd.s32 $0x73400, s9;
	[sflag:s6] =	ssyncpa.u1 $0x0;
	s8 =	simm.s32 @!p0 $0x0  }
0xd: {  	s11 =	smov.u32 s2;
	[sflag:s7] =	ssyncpa.u1 $0x0;
	s8 =	sshrl.u32 s8, $0x5  }
0xe: {  	vm0 =	vmmov $0xff;
	vm1 =	vcmask $0x3F20;
	[sflag:s10] =	ssyncpa.u1 $0x0;
	p0 =	por $0x0, $0x0;
	s10 =	sadd.s32 $0x1, s8  }
.LBB2_9:
0xf: {  	s13 =	sadd.s32 $0x20, s11  }
0x10: {  	s15 =	smov.u32 s2;
	p2 =	slt.s32 s13, s4  }
0x11: {  	s15 =	smov.u32 @p2 s13;
	p2 =	sne.s32 s12, s10  }
.Ltmp1:
0x12: {  	p1 =	slt.u32 s12, $0x2;
	(pc) =	sbr.rel @!p2 .LBB2_10-.Ltmp1, $4  }
0x13: {  	s14 =	simm.s32 @!p1 $0x3  }
0x14: {  	s16 =	sadd.s32 $0x1, s12;
	_ =	swait.ge @!p1 [sflag:s14], $0x7000  }
0x15: {  	p0 =	por !p0, !p0;
	s13 =	smov.u32 s11;
	[sflag:s14] =	ssyncset.done @!p1 $0x0  }
0x16: {  	s12 =	smov.u32 s16;
	s11 =	smov.u32 s15;
	[sflag:s14] =	ssyncadd.s32 @!p1 $0xFFFF9000  }
.LBB2_1:
0x17: {  	p1 =	sge.u32 s12, s8  }
0x18: {  	s14 =	sxor.u32 @!p1 $0xFFFFFFFF, s12  }
0x19: {  	s31 =	sadd.s32 $0xFFFFFFFF, s12;
	s15 =	sshrl.u32 @!p1 s11, $0x3;
	s14 =	sshll.u32 @!p1 s14, $0x5  }
0x1a: {  	s16 =	sand.u32 @!p1 $0x7, s11;
	s15 =	sadd.s32 @!p1 s3, s15;
	s14 =	sand.u32 @!p1 $0x20, s14  }
0x1b: {  	[tilespmem:s14], [sflag:$0x2] =	stream.linear.gather @!p1 [hbm4b:s15+s16], $0x20, $0x38;
	[tilespmem:$0xE040] =	vst v63  }
0x1c: {  	p1 =	sge.u32 s31, s8  }
.Ltmp2:
0x1d: {  	_ = 	snop;
	(pc) =	sbr.rel @p1 .LBB2_9-.Ltmp2, $1  }
0x1e: {  	_ =	sdelay $0x3  }
0x1f: {  	s14 =	simm.s32 $0x1  }
0x20: {  	s14 =	simm.s32 @!p0 $0x0  }
0x21: {  	_ =	swait.ge [sflag:s7], $0x20;
	s14 =	smul.u32 $0x1C000, s14  }
0x22: {  	s15 =	sand.u32 $0x1, s12;
	s17 =	simm.s32 $0x0;
	p2 =	por $0x1, $0x1  }
0x23: {  	[sflag:s7] =	ssyncset.done $0x0;
	s15 =	sshll.u32 s15, $0x5;
	s16 =	sshrl.u32 s14, $0x2  }
0x24: {  	[sflag:s7] =	ssyncadd.s32 $0xFFFFFFE0;
	s14 =	sor.u32 $0x40, s16;
	s16 =	sadd.s32 $0x40, s16  }
.LBB2_3:
0x25: {  	s18 =	sshll.u32 s17, $0x4  }
0x26: {  	s18 =	sand.u32 $0x3FFFFFF0, s18  }
0x27: {  	s18 =	sadd.s32 s18, s15  }
0x28: {  	v0 =	vld.msk [tilespmem:s18+$0x0 ss:$0x1], $0xffff;
	_ =	sdelay $0x4  }
0x29: {  	vm2 =	vgt.s32 v0, $0x0  }
0x2a: {  	v0 =	vnsel vm2, $0x0, v0  }
0x2b: {  	v0 =	vmin.u32 v0, $0x63F  }
0x2c: {  	v1 =	vshrl.u32 v0, $0x3  }
0x2d: {  	v0 =	vshll.u32 v0, $0x7;
	v1 =	vmul.u32 $0x1C00, v1  }
0x2e: {  	v0 =	vand.u32 $0x380, v0  }
0x2f: {  	v0 =	vor.u32 v0, v1  }
0x30: {  	s31 =	smul.u32 $0xE000, s17;
	v0 =	vshrl.u32 v0, $0x3;
	_ =	sdelay $0x1  }
0x31: {  	s17 =	sshra.s32 s31, $0x2  }
0x32: {  	s17 =	sadd.s32 s17, s16  }
0x33: {  	s19 =	sadd.s32 $0x0, s17  }
0x34: {  	[tilespmem:s19], [sflag:$0x1] =	stream.indirect_vreg.gather [hbm:s5], $0x80, v0, vm0, $0x38;
	[tilespmem:$0xE040] =	vst v63  }
0x35: {  	p1 =	por p2, p2;
	s18 =	simm.s32 $0x1000;
	v1 =	vadd.s32 $0x80, v0;
	s19 =	sadd.s32 $0x1C00, s19  }
.LBB2_4:
0x36: {  	[tilespmem:s19], [sflag:$0x1] =	stream.indirect_vreg.gather [hbm:s5], $0x80, v0, vm1, $0x38;
	[tilespmem:$0xE040] =	vst v63  }
0x37: {  	v0 =	vmov v1;
	s19 =	smov.u32 s18;
	p2 =	sne.s32 s18, $0x6000  }
.Ltmp3:
0x38: {  	s18 =	sadd.s32 $0x1000, s18;
	(pc) =	sbr.rel @p2 .LBB2_4-.Ltmp3, $4  }
0x39: {  	s19 =	sshra.s32 s19, $0x2  }
0x3a: {  	s19 =	sadd.s32 s19, s17  }
0x3b: {  	[tilespmem:s19], [sflag:$0x1] =	stream.indirect_vreg.gather [hbm:s5], $0x80, v1, vm0, $0x38;
	[tilespmem:$0xE040] =	vst v63  }
0x3c: {  	s19 =	sadd.s32 $0x1C00, s19;
	v1 =	vadd.s32 $0x80, v1  }
0x3d: {  	_ = 	snop  }
.Ltmp4:
0x3e: {  	_ = 	snop;
	(pc) =	sbr.rel @p1 .LBB2_3-.Ltmp4, $3  }
0x3f: {  	_ =	sdelay $0x1  }
0x40: {  	[tilespmem:s19], [sflag:$0x1] =	stream.indirect_vreg.gather [hbm:s5], $0x80, v0, vm1, $0x38;
	[tilespmem:$0xE040] =	vst v63  }
0x41: {  	s17 =	simm.s32 $0x1;
	p2 =	por $0x0, $0x0  }
0x42: {  	s15 =	sshrl.u32 s13, $0x3  }
0x43: {  	s15 =	smul.u32 $0x380, s15  }
0x44: {  	s31 =	sshll.u32 s13, $0x4  }
0x45: {  	_ =	swait.ge [sflag:s6], $0x7000;
	s13 =	sand.u32 $0x70, s31;
	s15 =	sadd.s32 s15, s9  }
0x46: {  	s16 =	sadd.s32 $0x1C00, s14;
	[sflag:s6] =	ssyncset.done $0x0;
	s13 =	sadd.s32 s13, s15  }
0x47: {  	[sflag:s6] =	ssyncadd.s32 $0xFFFF9000;
	s15 =	simm.s32 $0x380;
	s17 =	sadd.s32 $0x0, s13  }
.LBB2_7:
0x48: {  	[hbm:s17] =	stream.linear.scatter [tilespmem:s14], [sflag:$0x3], $0x1C00, $0x38;
	[tilespmem:$0xE040] =	vst v63  }
0x49: {  	s17 =	smov.u32 s15;
	s14 =	smov.u32 s16;
	p1 =	sne.s32 s15, $0xA80  }
.Ltmp5:
0x4a: {  	s15 =	sadd.s32 $0x380, s15;
	(pc) =	sbr.rel @p1 .LBB2_7-.Ltmp5, $2  }
0x4b: {  	_ =	sdelay $0x2  }
0x4c: {  	s16 =	sadd.s32 $0x1C00, s16;
	s17 =	sadd.s32 s17, s13  }
.Ltmp6:
0x4d: {  	(pc) =	sbr.rel .LBB2_9-.Ltmp6, $2  }
0x4e: {  	_ =	sdelay $0x2  }
0x4f: {  	[hbm:s17] =	stream.linear.scatter [tilespmem:s14], [sflag:$0x3], $0x1C00, $0x38;
	[tilespmem:$0xE040] =	vst v63  }
.LBB2_10:
0x50: {  	_ =	sfence.sel $0x180000  }
0x51: {  	s2 =	simm.s32 $0x2;
	[bflag:$0x0] =	sbarrier.arrive $0xFFFF  }
0x52: {  	s30 =	simm.s32 $0x3;
	[sflag:s2] =	ssyncpa.u1 $0x1  }
0x53: {  	s31 =	simm.s32 $0x1;
	[sflag:s30] =	ssyncpa.u1 $0x1  }
0x54: {  	[sflag:s31] =	ssyncpa.u1 $0x1  }
0x55: {  	p0 =	sne.s32 s0, $0x0;
	_ =	strace $0x9000004A  }
0x56: {  	s0 =	sadd.s32 @!p0 $0x100000, s1;
	[bflag:$0x2] =	sbarrier.arrive $0xFFFF  }
0x57: {  	[sflag:s0] =	ssyncadd.tile.s32 @!p0 $0x1;
	_ =	shalt  }
.Lfunc_end2:
_tile_overlayer_lowered:
.L_overlay_start_2:
0x58: {  	(tag) =	ssettag $0x2  }
0x59: {  	s0 =	rddreg [dreg:$0x0];
	s2 =	stileid.u32  }
0x5a: {  	s1 =	rddreg [dreg:$0x1];
	p0 =	sne.s32 s2, $0x0  }
0x5b: {  	s3 =	rddreg [dreg:$0x2];
	[bflag:$0x3] =	sbarrier.arrive $0xFFFF;
	s2 =	simm.s32 @!p0 $0x1C01  }
0x5c: {  	[timem:s3], [sflag:s2] =	dma.local @!p0 [hbm:s0], s1  }
0x5d: {  	s0 =	simm.s32 @!p0 $0x1  }
0x5e: {  	_ =	swait.ge @!p0 [sflag:s0], s1  }
0x5f: {  	s1 =	ssub.s32 @!p0 $0x0, s1;
	[sflag:s0] =	ssyncset.done @!p0 $0x0  }
0x60: {  	[sflag:s0] =	ssyncadd.s32 @!p0 s1  }
0x61: {  	[bflag:$0x3] =	sbarrier.arrive $0xFFFF  }
0x62: {  	_ =	shalt  }

// kernel: kernel.16.cloned.1.call-start
scs
__scs_entry_jumppad:
0x0: {  	(pc) =	sbr.rel $0x88, $3  }
0x1: {  	(tag) =	ssettag $0x0;
	lr =	simm.s32 $0x1  }
0x2: {  	[smem:$0x3F94] =	sst lr;
	_ =	strace $0xD0000000  }
0x3: {  	_ = 	snop  }
0x4: {  	_ = 	snop  }
0x5: {  	_ = 	snop  }
0x6: {  	_ = 	snop  }
0x7: {  	_ = 	snop  }
__scs_overlays_trampoline_lowered:
0x8: {  	[smem:$0x3FA3] =	sst s0  }
0x9: {  	[smem:$0x3FA4] =	sst s1  }
0xa: {  	[smem:$0x3FA5] =	sst s2  }
0xb: {  	[smem:$0x3FA6] =	sst s3  }
0xc: {  	[smem:$0x3FA7] =	sst s4  }
0xd: {  	[smem:$0x3FA8] =	sst s5  }
0xe: {  	[smem:$0x3FA9] =	sst s6  }
0xf: {  	[smem:$0x3FAA] =	sst s7  }
0x10: {  	[smem:$0x3FAB] =	sst s8  }
0x11: {  	[smem:$0x3FAC] =	sst s9;
	s0 =	simm.s32 @!p0 $0x0  }
0x12: {  	s1 =	sld [smem:$0x3F92];
	s0 =	simm.s32 @p0 $0x1  }
0x13: {  	[smem:$0x3FAD] =	sst s0;
	s0 =	simm.s32 @!p1 $0x0  }
0x14: {  	s2 =	sld [smem:$0x3F91];
	s0 =	simm.s32 @p1 $0x1  }
0x15: {  	[smem:$0x3FAE] =	sst s0;
	s0 =	simm.s32 @!p2 $0x0  }
0x16: {  	s3 =	sld [smem:$0x3FDB];
	s0 =	simm.s32 @p2 $0x1  }
0x17: {  	s4 =	simm.s32 $0x1BF5;
	[smem:$0x3FB0] =	sst s0  }
0x18: {  	s0 =	sld [smem:$0x3F93];
	_ =	swait.ge [sflag:s4], $0x0  }
0x19: {  	s7 =	sld [smem:$0x3F94]  }
0x1a: {  	s8 =	sadd.s32 $0xFFFFE003, lr  }
0x1b: {  	s9 =	sadd.s32 $0xFFFFFEF7, lr;
	s5 =	simm.s32 $0xFFFFFFFF;
	p2 =	slt.u32 s8, $0xFFFFF086  }
0x1c: {  	p1 =	slt.u32 s9, $0xF7A;
	s5 =	simm.s32 @!p2 $0x0  }
0x1d: {  	s5 =	simm.s32 @p1 $0x1;
	p0 =	seq.s32 s7, s2  }
0x1e: {  	s7 =	smul.u32 @!p0 $0xF7A, s2;
	p2 =	seq.s32 @!p0 s5, $0x0  }
0x1f: {  	s9 =	smul.u32 $0xF7A, s1;
	s8 =	simm.s32 @!p0 $0x1BF5;
	p2 =	por !p2, p0  }
0x20: {  	[sflag:s8] =	ssyncset.s32 @!p0 $0xFFFFF086;
	s6 =	sadd.s32 @!p0 s3, s7;
	s7 =	simm.s32 @!p0 $0x108  }
0x21: {  	s3 =	sadd.s32 s3, s9;
	s6 =	sadd.s32 @!p0 $0x88, s6;
	s7 =	simm.s32 @p2 $0x1082  }
0x22: {  	[simem:s7], [sflag:s8] =	dma.local @!p0 [hbm:s6], $0xF7A  }
0x23: {  	s9 =	sor.u32 $0xD0000000, s2;
	s6 =	simm.s32 $0x108;
	_ =	swait.ge @!p0 [sflag:s8], $0x0  }
0x24: {  	s3 =	sadd.s32 $0x88, s3;
	s6 =	simm.s32 @!p1 $0x1082;
	[sflag:s4] =	ssyncset.s32 $0xFFFFF086  }
0x25: {  	[simem:s6], [sflag:s4] =	dma.local [hbm:s3], $0xF7A  }
0x26: {  	[smem:$0x3F94] =	sst s1;
	(tag) =	ssettag s2;
	_ =	strace s9  }
0x27: {  	s1 =	sld [smem:$0x3FA4]  }
0x28: {  	s2 =	sld [smem:$0x3FA5]  }
0x29: {  	s4 =	sld [smem:$0x3FA7]  }
0x2a: {  	p0 =	seq.s32 s5, $0x0;
	s5 =	sld [smem:$0x3FA8]  }
0x2b: {  	s6 =	sld [smem:$0x3FA9]  }
0x2c: {  	s7 =	sld [smem:$0x3FAA]  }
0x2d: {  	s3 =	simm.s32 $0x108;
	s8 =	sld [smem:$0x3FAB]  }
0x2e: {  	s3 =	simm.s32 @!p0 $0x1082;
	s9 =	sld [smem:$0x3FAC]  }
0x2f: {  	lr =	sadd.s32 s0, s3;
	s0 =	sld [smem:$0x3FA3]  }
0x30: {  	s3 =	sld [smem:$0x3FA6]  }
0x31: {  	[smem:$0x3FAF] =	sst s10  }
0x32: {  	s10 =	sld [smem:$0x3FAD];
	_ =	sdelay $0x3  }
0x33: {  	p0 =	seq.s32 s10, $0x1;
	s10 =	sld [smem:$0x3FAF];
	_ =	sdelay $0x3  }
0x34: {  	[smem:$0x3FAF] =	sst s10  }
0x35: {  	s10 =	sld [smem:$0x3FAE];
	_ =	sdelay $0x3  }
0x36: {  	p1 =	seq.s32 s10, $0x1;
	s10 =	sld [smem:$0x3FAF];
	_ =	sdelay $0x3  }
0x37: {  	[smem:$0x3FAF] =	sst s10  }
0x38: {  	s10 =	sld [smem:$0x3FB0]  }
0x39: {  	_ = 	snop;
	(pc) =	sbr.ind lr, $3  }
0x3a: {  	_ = 	snop  }
0x3b: {  	_ = 	snop  }
0x3c: {  	p2 =	seq.s32 s10, $0x1;
	s10 =	sld [smem:$0x3FAF]  }
0x3d: {  	_ =	shalt  }
0x3e: {  	_ =	shalt  }
0x3f: {  	_ =	shalt  }
0x40: {  	_ =	shalt  }
0x41: {  	_ =	shalt  }
0x42: {  	_ =	shalt  }
0x43: {  	_ =	shalt  }
0x44: {  	_ =	shalt  }
0x45: {  	_ =	shalt  }
0x46: {  	_ =	shalt  }
0x47: {  	_ =	shalt  }
0x48: {  	_ =	shalt  }
0x49: {  	_ =	shalt  }
0x4a: {  	_ =	shalt  }
0x4b: {  	_ =	shalt  }
0x4c: {  	_ =	shalt  }
0x4d: {  	_ =	shalt  }
0x4e: {  	_ =	shalt  }
0x4f: {  	_ =	shalt  }
0x50: {  	_ =	shalt  }
0x51: {  	_ =	shalt  }
0x52: {  	_ =	shalt  }
0x53: {  	_ =	shalt  }
0x54: {  	_ =	shalt  }
0x55: {  	_ =	shalt  }
0x56: {  	_ =	shalt  }
0x57: {  	_ =	shalt  }
0x58: {  	_ =	shalt  }
0x59: {  	_ =	shalt  }
0x5a: {  	_ =	shalt  }
0x5b: {  	_ =	shalt  }
0x5c: {  	_ =	shalt  }
0x5d: {  	_ =	shalt  }
0x5e: {  	_ =	shalt  }
0x5f: {  	_ =	shalt  }
0x60: {  	_ =	shalt  }
0x61: {  	_ =	shalt  }
0x62: {  	_ =	shalt  }
0x63: {  	_ =	shalt  }
0x64: {  	_ =	shalt  }
0x65: {  	_ =	shalt  }
0x66: {  	_ =	shalt  }
0x67: {  	_ =	shalt  }
0x68: {  	_ =	shalt  }
0x69: {  	_ =	shalt  }
0x6a: {  	_ =	shalt  }
0x6b: {  	_ =	shalt  }
0x6c: {  	_ =	shalt  }
0x6d: {  	_ =	shalt  }
0x6e: {  	_ =	shalt  }
0x6f: {  	_ =	shalt  }
0x70: {  	_ =	shalt  }
0x71: {  	_ =	shalt  }
0x72: {  	_ =	shalt  }
0x73: {  	_ =	shalt  }
0x74: {  	_ =	shalt  }
0x75: {  	_ =	shalt  }
0x76: {  	_ =	shalt  }
0x77: {  	_ =	shalt  }
0x78: {  	_ =	shalt  }
0x79: {  	_ =	shalt  }
0x7a: {  	_ =	shalt  }
0x7b: {  	_ =	shalt  }
0x7c: {  	_ =	shalt  }
0x7d: {  	_ =	shalt  }
0x7e: {  	_ =	shalt  }
0x7f: {  	_ =	shalt  }
0x80: {  	_ =	shalt  }
0x81: {  	_ =	shalt  }
0x82: {  	_ =	shalt  }
0x83: {  	_ =	shalt  }
0x84: {  	_ =	shalt  }
0x85: {  	_ =	shalt  }
0x86: {  	_ =	shalt  }
0x87: {  	_ =	shalt  }
.Lfunc_end0:
.L_simem_size_0:
called_computation.1_lowered:
.L_overlay_start_0:
0x88: {  	s2 =	sld [smem:$0x3FD9]  }
0x89: {  	s3 =	sld [smem:$0x3FFE];
	_ =	sdelay $0x1  }
0x8a: {  	s1 =	srdreg.scid  }
0x8b: {  	s0 =	sand.u32 $0x1, s1  }
0x8c: {  	s17 =	sshll.u32 s0, $0xA;
	s2 =	sadd.s32 s3, s2  }
0x8d: {  	s2 =	sadd.s32 s2, s17  }
0x8e: {  	[smem:$0x3FBB] =	sst s2  }
0x8f: {  	_ = 	snop  }
0x90: {  	s2 =	sld [smem:$0x3FD0];
	(tm) =	ssettm $0x1  }
0x91: {  	s18 =	sld [smem:$0x3FFB];
	_ =	sdelay $0x3  }
0x92: {  	_ =	strace s18  }
0x93: {  	s3 =	sld [smem:$0x3FFC];
	_ =	sdelay $0x3  }
0x94: {  	_ =	strace s3  }
0x95: {  	s3 =	sld [smem:$0x3FFD];
	_ =	sdelay $0x3  }
0x96: {  	_ =	strace s3  }
0x97: {  	_ =	strace $0x8FFFFFFF  }
0x98: {  	s19 =	sld [smem:$0x3FDB];
	_ =	sdelay $0x1  }
0x99: {  	s4 =	simm.s32 $_scs_section_size  }
0x9a: {  	s5 =	simm.s32 $_size__tile_overlayer_lowered;
	s6 =	simm.s32 $_tile_overlayer_lowered  }
0x9b: {  	s22 =	simm.s32 $0x1BFF;
	s21 =	sshll.u32 s6, $0x1;
	s3 =	sadd.s32 s4, s19  }
0x9c: {  	s7 =	simm.s32 $0x0;
	s20 =	sshll.u32 s5, $0x1;
	s5 =	sadd.s32 s21, s3  }
0x9d: {  	[timem:s7], [sflag:s22] =	dma.local [hbm:s5], s20  }
0x9e: {  	_ =	swait.ge [sflag:s22], s20  }
0x9f: {  	s4 =	ssub.s32 $0x0, s20;
	[sflag:s22] =	ssyncset.done $0x0  }
0xa0: {  	[sflag:s22] =	ssyncadd.s32 s4;
	_ =	sdelay $0x1  }
0xa1: {  	s23 =	simm.s32 $0x1B8B  }
0xa2: {  	_ =	swait.ge [sflag:s23], $0x1  }
0xa3: {  	[sflag:s23] =	ssyncset.done $0x0  }
0xa4: {  	s25 =	simm.s32 $0x1B8E;
	s24 =	sld [smem:$0x3FFE];
	[sflag:s23] =	ssyncadd.s32 $0xFFFFFFFF  }
0xa5: {  	s26 =	simm.s32 $execute0_lowered;
	[smem:$0x3FD2] =	sst s25  }
0xa6: {  	s5 =	sshll.u32 s26, $0x1;
	_ =	strace $0x80000046;
	[dreg:$0x1] =	wrdreg $0xFFFFFFFF  }
0xa7: {  	s28 =	simm.s32 $_size_execute0_lowered;
	s3 =	sadd.s32 s3, s5;
	[dreg:$0x0] =	wrdreg $0x0  }
0xa8: {  	s5 =	sshll.u32 s28, $0x1;
	[dreg:$0x2] =	wrdreg s3  }
0xa9: {  	[dreg:$0x3] =	wrdreg s5  }
0xaa: {  	[dreg:$0x4] =	wrdreg $0xC0  }
0xab: {  	_ =	task [dreg:s7], $0x5FFFF  }
0xac: {  	[dreg:$0x1] =	wrdreg $0xFFFFFFFF  }
0xad: {  	[dreg:$0x0] =	wrdreg $0x60  }
0xae: {  	[dreg:$0x2] =	wrdreg s24  }
0xaf: {  	[dreg:$0x3] =	wrdreg s2  }
0xb0: {  	[dreg:$0x4] =	wrdreg $0x9  }
0xb1: {  	_ =	task.clear_ibuf [dreg:s7], $0x5FFFF;
	_ =	strace $0x90000046  }
0xb2: {  	s29 =	simm.s32 $0x9;
	_ =	strace $0x80000048  }
0xb3: {  	_ =	swait.ge [sflag:s29], $0x1  }
0xb4: {  	[sflag:s29] =	ssyncadd.s32 $0xFFFFFFFF  }
0xb5: {  	_ =	strace $0x90000048  }
0xb6: {  	_ =	sfence  }
0xb7: {  	s30 =	sld [smem:$0x0];
	_ =	sdelay $0x2  }
0xb8: {  	s31 =	sshll.u32 s1, $0xD;
	s1 =	sshrl.u32 s1, $0x2  }
0xb9: {  	s3 =	sand.u32 $0x4000, s31;
	s1 =	sadd.s32 s1, s30  }
0xba: {  	s0 =	sor.u32 s3, s0;
	s1 =	sshll.u32 s1, $0x11  }
0xbb: {  	s0 =	sor.u32 s1, s0  }
0xbc: {  	s0 =	sadd.s32 $0x8F2B, s0  }
0xbd: {  	[sflag:s0] =	ssyncadd.remote.s32 $0x1  }
0xbe: {  	_ =	sfence.sel $0xFFFF  }
0xbf: {  	[dreg:$0x0] =	wrdreg $0xFFFFFFFF;
	(pc) =	sbr.abs _section_cstart, $3  }
0xc0: {  	[dreg:$0x1] =	wrdreg $0xFFFFFFFF  }
0xc1: {  	_ =	task.clear_ibuf [dreg:s7], $0x2FFFF;
	_ =	strace $0x9FFFFFFF  }
0xc2: {  	(tm) =	ssettm $0x7FFFFFFF  }
0xc3: {  	_ =	shalt  }
tec
execute0_lowered:
.L_overlay_start_1:
0x0: {  	(tag) =	ssettag $0x1  }
0x1: {  	s1 =	stileid.u32  }
0x2: {  	p0 =	sgt.u32 s1, $0xB  }
.Ltmp0:
0x3: {  	_ = 	snop;
	(pc) =	sbr.rel @p0 .LBB2_5-.Ltmp0, $4  }
0x4: {  	s4 =	rddreg [dreg:$0x0]  }
0x5: {  	s2 =	rddreg [dreg:$0x1];
	s3 =	simm.s32 $0x0  }
0x6: {  	[smem:$0x7FF] =	sst s3  }
0x7: {  	s0 =	rddreg [dreg:$0x2];
	_ =	strace $0x80000047  }
0x8: {  	s5 =	srdreg.scid  }
0x9: {  	s6 =	sshll.u32 s1, $0x3;
	s8 =	sadd.s32 $0x2C00, s4;
	s5 =	sand.u32 $0x1, s5  }
0xa: {  	s9 =	simm.s32 $0x300;
	s10 =	simm.s32 $0x1;
	s7 =	sshll.u32 s5, $0x2  }
0xb: {  	s11 =	simm.s32 $0x19650;
	s5 =	ssub.s32 $0x2, s5;
	s6 =	sor.u32 s7, s6  }
0xc: {  	s12 =	simm.s32 $0x0;
	s30 =	sshrl.u32 s5, $0x1;
	s31 =	sadd.s32 s6, s4  }
0xd: {  	s7 =	ssub.s32 s5, s30;
	s5 =	sadd.s32 s8, s6;
	s8 =	simm.s32 $0x20  }
0xe: {  	s4 =	sadd.s32 $0x4DC00, s31;
	s6 =	smax.u32 s7, $0x1;
	s7 =	sadd.s32 $0xC8, s2  }
.LBB2_2:
0xf: {  	s14 =	simm.s32 $0x0  }
0x10: {  	[tilespmem:s14], [sflag:$0x1] =	stream.strided.gather [hbm4b:s5+s8], $0x19000, s9, s8, $0x38;
	[tilespmem:$0x19CA0] =	vst v63  }
0x11: {  	_ =	swait.ge [sflag:s10], $0x19000  }
0x12: {  	[sflag:s10] =	ssyncset.done $0x0  }
0x13: {  	s13 =	simm.s32 $0x19000;
	[sflag:s10] =	ssyncadd.s32 $0xFFFE7000  }
0x14: {  	[tilespmem:s13], [sflag:$0x1] =	stream.linear.gather [hbm4b:s2+s14], $0x640, $0x38;
	[tilespmem:$0x19CA0] =	vst v63  }
0x15: {  	_ = 	snop  }
0x16: {  	[tilespmem:s11], [sflag:$0x1] =	stream.linear.gather [hbm4b:s7+s14], $0x640, $0x38;
	[tilespmem:$0x19CA0] =	vst v63  }
0x17: {  	_ =	swait.ge [sflag:s10], $0xC80  }
0x18: {  	[sflag:s10] =	ssyncset.done $0x0  }
0x19: {  	s14 =	sand.u32 $0x7FF, s14;
	[sflag:s10] =	ssyncadd.s32 $0xFFFFF380  }
0x1a: {  	v0 =	vld [tilespmem:s14+$0x19650];
	_ =	sdelay $0x1  }
0x1b: {  	v1 =	vld [tilespmem:s13+$0x0]  }
0x1c: {  	s14 =	simm.s32 $0x1  }
.LBB2_3:
0x1d: {  	p0 =	sne.s32 s14, $0x63F  }
0x1e: {  	(v2sf) =	vpush v0, $0x0;
	_ =	sdelay $0x1  }
0x1f: {  	(v2sf) =	vpush v1, $0x0;
	_ =	sdelay $0xc  }
0x20: {  	s15 =	spop (v2sf)  }
0x21: {  	s15 =	sshll.u32 s15, $0x7  }
0x22: {  	s15 =	sshra.s32 s15, $0x2;
	s16 =	spop (v2sf)  }
0x23: {  	s16 =	sshll.u32 s16, $0x7;
	v0 =	vld [tilespmem:s15+$0x0]  }
0x24: {  	s16 =	sshra.s32 s16, $0x2;
	v1 =	vld [tilespmem:s15+$0x10]  }
0x25: {  	v2 =	vld [tilespmem:s16+$0x0]  }
0x26: {  	v3 =	vld [tilespmem:s16+$0x10];
	_ =	sdelay $0x3  }
0x27: {  	v0 =	vmul.f32 $5.000000000e-01, v0;
	v2 =	vmul.f32 $5.000000000e-01, v2  }
0x28: {  	v1 =	vmul.f32 $5.000000000e-01, v1;
	v3 =	vmul.f32 $5.000000000e-01, v3  }
0x29: {  	v0 =	vadd.f32 v0, v2  }
0x2a: {  	v1 =	vadd.f32 v1, v3  }
0x2b: {  	[tilespmem:s16+$0x0] =	vst v0  }
0x2c: {  	[tilespmem:s16+$0x10] =	vst v1  }
0x2d: {  	[tilespmem:s15+$0x10] =	vst v1  }
.Ltmp1:
0x2e: {  	s16 =	sand.u32 $0x7FF, s14;
	[tilespmem:s15+$0x0] =	vst v0;
	(pc) =	sbr.rel @p0 .LBB2_3-.Ltmp1, $4  }
0x2f: {  	v0 =	vld [tilespmem:s16+$0x19650]  }
0x30: {  	s13 =	sadd.s32 $0x1, s13  }
0x31: {  	v1 =	vld [tilespmem:s13+$0x0]  }
0x32: {  	s14 =	sadd.s32 $0x1, s14  }
0x33: {  	_ = 	snop  }
0x34: {  	(v2sf) =	vpush v0, $0x0;
	_ =	sdelay $0x1  }
0x35: {  	(v2sf) =	vpush v1, $0x0;
	_ =	sdelay $0xc  }
0x36: {  	s13 =	spop (v2sf)  }
0x37: {  	s13 =	sshll.u32 s13, $0x7  }
0x38: {  	s13 =	sshra.s32 s13, $0x2;
	s14 =	spop (v2sf)  }
0x39: {  	s14 =	sshll.u32 s14, $0x7;
	v62 =	vld [tilespmem:s13+$0x0]  }
0x3a: {  	v63 =	vld [tilespmem:s13+$0x10];
	s14 =	sshra.s32 s14, $0x2  }
0x3b: {  	v2 =	vld [tilespmem:s14+$0x0]  }
0x3c: {  	v3 =	vld [tilespmem:s14+$0x10];
	_ =	sdelay $0x3  }
0x3d: {  	v0 =	vmul.f32 $5.000000000e-01, v62;
	v2 =	vmul.f32 $5.000000000e-01, v2  }
0x3e: {  	v1 =	vmul.f32 $5.000000000e-01, v63;
	v3 =	vmul.f32 $5.000000000e-01, v3  }
0x3f: {  	v0 =	vadd.f32 v0, v2  }
0x40: {  	v1 =	vadd.f32 v1, v3  }
0x41: {  	[tilespmem:s14+$0x0] =	vst v0  }
0x42: {  	s12 =	sadd.s32 $0x1, s12;
	[tilespmem:s14+$0x10] =	vst v1  }
0x43: {  	p0 =	sne.s32 s12, s6;
	[tilespmem:s13+$0x10] =	vst v1  }
.Ltmp2:
0x44: {  	[tilespmem:s13+$0x0] =	vst v0;
	(pc) =	sbr.rel @p0 .LBB2_2-.Ltmp2, $4  }
0x45: {  	[hbm4b:s4+s8] =	stream.strided.scatter [tilespmem:s3], [sflag:$0x1], $0xC800, s9, s8, $0x38;
	[tilespmem:$0x19CA0] =	vst v63  }
0x46: {  	_ =	swait.ge [sflag:s10], $0xC800  }
0x47: {  	[sflag:s10] =	ssyncset.done $0x0  }
0x48: {  	[sflag:s10] =	ssyncadd.s32 $0xFFFF3800  }
.LBB2_5:
0x49: {  	_ =	sfence.sel $0x180000  }
0x4a: {  	[bflag:$0x0] =	sbarrier.arrive $0xFFFF  }
0x4b: {  	p0 =	sne.s32 s1, $0x0;
	_ =	strace $0x90000047  }
0x4c: {  	s0 =	sadd.s32 @!p0 $0x100000, s0;
	[bflag:$0x2] =	sbarrier.arrive $0xFFFF  }
0x4d: {  	[sflag:s0] =	ssyncadd.tile.s32 @!p0 $0x1;
	_ =	shalt  }
.Lfunc_end2:
_tile_overlayer_lowered:
.L_overlay_start_2:
0x4e: {  	(tag) =	ssettag $0x2  }
0x4f: {  	s0 =	rddreg [dreg:$0x0];
	s2 =	stileid.u32  }
0x50: {  	s1 =	rddreg [dreg:$0x1];
	p0 =	sne.s32 s2, $0x0  }
0x51: {  	s3 =	rddreg [dreg:$0x2];
	[bflag:$0x3] =	sbarrier.arrive $0xFFFF;
	s2 =	simm.s32 @!p0 $0x1C01  }
0x52: {  	[timem:s3], [sflag:s2] =	dma.local @!p0 [hbm:s0], s1  }
0x53: {  	s0 =	simm.s32 @!p0 $0x1  }
0x54: {  	_ =	swait.ge @!p0 [sflag:s0], s1  }
0x55: {  	s1 =	ssub.s32 @!p0 $0x0, s1;
	[sflag:s0] =	ssyncset.done @!p0 $0x0  }
0x56: {  	[sflag:s0] =	ssyncadd.s32 @!p0 s1  }
0x57: {  	[bflag:$0x3] =	sbarrier.arrive $0xFFFF  }
0x58: {  	_ =	shalt  }

// kernel: kernel.19.cloned.1.call-start
scs
__scs_entry_jumppad:
0x0: {  	(pc) =	sbr.rel $0x88, $3  }
0x1: {  	(tag) =	ssettag $0x0;
	lr =	simm.s32 $0x1  }
0x2: {  	[smem:$0x3F94] =	sst lr;
	_ =	strace $0xD0000000  }
0x3: {  	_ = 	snop  }
0x4: {  	_ = 	snop  }
0x5: {  	_ = 	snop  }
0x6: {  	_ = 	snop  }
0x7: {  	_ = 	snop  }
__scs_overlays_trampoline_lowered:
0x8: {  	[smem:$0x3FA3] =	sst s0  }
0x9: {  	[smem:$0x3FA4] =	sst s1  }
0xa: {  	[smem:$0x3FA5] =	sst s2  }
0xb: {  	[smem:$0x3FA6] =	sst s3  }
0xc: {  	[smem:$0x3FA7] =	sst s4  }
0xd: {  	[smem:$0x3FA8] =	sst s5  }
0xe: {  	[smem:$0x3FA9] =	sst s6  }
0xf: {  	[smem:$0x3FAA] =	sst s7  }
0x10: {  	[smem:$0x3FAB] =	sst s8  }
0x11: {  	[smem:$0x3FAC] =	sst s9;
	s0 =	simm.s32 @!p0 $0x0  }
0x12: {  	s1 =	sld [smem:$0x3F92];
	s0 =	simm.s32 @p0 $0x1  }
0x13: {  	[smem:$0x3FAD] =	sst s0;
	s0 =	simm.s32 @!p1 $0x0  }
0x14: {  	s2 =	sld [smem:$0x3F91];
	s0 =	simm.s32 @p1 $0x1  }
0x15: {  	[smem:$0x3FAE] =	sst s0;
	s0 =	simm.s32 @!p2 $0x0  }
0x16: {  	s3 =	sld [smem:$0x3FDB];
	s0 =	simm.s32 @p2 $0x1  }
0x17: {  	s4 =	simm.s32 $0x1BF5;
	[smem:$0x3FB0] =	sst s0  }
0x18: {  	s0 =	sld [smem:$0x3F93];
	_ =	swait.ge [sflag:s4], $0x0  }
0x19: {  	s7 =	sld [smem:$0x3F94]  }
0x1a: {  	s8 =	sadd.s32 $0xFFFFE003, lr  }
0x1b: {  	s9 =	sadd.s32 $0xFFFFFEF7, lr;
	s5 =	simm.s32 $0xFFFFFFFF;
	p2 =	slt.u32 s8, $0xFFFFF086  }
0x1c: {  	p1 =	slt.u32 s9, $0xF7A;
	s5 =	simm.s32 @!p2 $0x0  }
0x1d: {  	s5 =	simm.s32 @p1 $0x1;
	p0 =	seq.s32 s7, s2  }
0x1e: {  	s7 =	smul.u32 @!p0 $0xF7A, s2;
	p2 =	seq.s32 @!p0 s5, $0x0  }
0x1f: {  	s9 =	smul.u32 $0xF7A, s1;
	s8 =	simm.s32 @!p0 $0x1BF5;
	p2 =	por !p2, p0  }
0x20: {  	[sflag:s8] =	ssyncset.s32 @!p0 $0xFFFFF086;
	s6 =	sadd.s32 @!p0 s3, s7;
	s7 =	simm.s32 @!p0 $0x108  }
0x21: {  	s3 =	sadd.s32 s3, s9;
	s6 =	sadd.s32 @!p0 $0x88, s6;
	s7 =	simm.s32 @p2 $0x1082  }
0x22: {  	[simem:s7], [sflag:s8] =	dma.local @!p0 [hbm:s6], $0xF7A  }
0x23: {  	s9 =	sor.u32 $0xD0000000, s2;
	s6 =	simm.s32 $0x108;
	_ =	swait.ge @!p0 [sflag:s8], $0x0  }
0x24: {  	s3 =	sadd.s32 $0x88, s3;
	s6 =	simm.s32 @!p1 $0x1082;
	[sflag:s4] =	ssyncset.s32 $0xFFFFF086  }
0x25: {  	[simem:s6], [sflag:s4] =	dma.local [hbm:s3], $0xF7A  }
0x26: {  	[smem:$0x3F94] =	sst s1;
	(tag) =	ssettag s2;
	_ =	strace s9  }
0x27: {  	s1 =	sld [smem:$0x3FA4]  }
0x28: {  	s2 =	sld [smem:$0x3FA5]  }
0x29: {  	s4 =	sld [smem:$0x3FA7]  }
0x2a: {  	p0 =	seq.s32 s5, $0x0;
	s5 =	sld [smem:$0x3FA8]  }
0x2b: {  	s6 =	sld [smem:$0x3FA9]  }
0x2c: {  	s7 =	sld [smem:$0x3FAA]  }
0x2d: {  	s3 =	simm.s32 $0x108;
	s8 =	sld [smem:$0x3FAB]  }
0x2e: {  	s3 =	simm.s32 @!p0 $0x1082;
	s9 =	sld [smem:$0x3FAC]  }
0x2f: {  	lr =	sadd.s32 s0, s3;
	s0 =	sld [smem:$0x3FA3]  }
0x30: {  	s3 =	sld [smem:$0x3FA6]  }
0x31: {  	[smem:$0x3FAF] =	sst s10  }
0x32: {  	s10 =	sld [smem:$0x3FAD];
	_ =	sdelay $0x3  }
0x33: {  	p0 =	seq.s32 s10, $0x1;
	s10 =	sld [smem:$0x3FAF];
	_ =	sdelay $0x3  }
0x34: {  	[smem:$0x3FAF] =	sst s10  }
0x35: {  	s10 =	sld [smem:$0x3FAE];
	_ =	sdelay $0x3  }
0x36: {  	p1 =	seq.s32 s10, $0x1;
	s10 =	sld [smem:$0x3FAF];
	_ =	sdelay $0x3  }
0x37: {  	[smem:$0x3FAF] =	sst s10  }
0x38: {  	s10 =	sld [smem:$0x3FB0]  }
0x39: {  	_ = 	snop;
	(pc) =	sbr.ind lr, $3  }
0x3a: {  	_ = 	snop  }
0x3b: {  	_ = 	snop  }
0x3c: {  	p2 =	seq.s32 s10, $0x1;
	s10 =	sld [smem:$0x3FAF]  }
0x3d: {  	_ =	shalt  }
0x3e: {  	_ =	shalt  }
0x3f: {  	_ =	shalt  }
0x40: {  	_ =	shalt  }
0x41: {  	_ =	shalt  }
0x42: {  	_ =	shalt  }
0x43: {  	_ =	shalt  }
0x44: {  	_ =	shalt  }
0x45: {  	_ =	shalt  }
0x46: {  	_ =	shalt  }
0x47: {  	_ =	shalt  }
0x48: {  	_ =	shalt  }
0x49: {  	_ =	shalt  }
0x4a: {  	_ =	shalt  }
0x4b: {  	_ =	shalt  }
0x4c: {  	_ =	shalt  }
0x4d: {  	_ =	shalt  }
0x4e: {  	_ =	shalt  }
0x4f: {  	_ =	shalt  }
0x50: {  	_ =	shalt  }
0x51: {  	_ =	shalt  }
0x52: {  	_ =	shalt  }
0x53: {  	_ =	shalt  }
0x54: {  	_ =	shalt  }
0x55: {  	_ =	shalt  }
0x56: {  	_ =	shalt  }
0x57: {  	_ =	shalt  }
0x58: {  	_ =	shalt  }
0x59: {  	_ =	shalt  }
0x5a: {  	_ =	shalt  }
0x5b: {  	_ =	shalt  }
0x5c: {  	_ =	shalt  }
0x5d: {  	_ =	shalt  }
0x5e: {  	_ =	shalt  }
0x5f: {  	_ =	shalt  }
0x60: {  	_ =	shalt  }
0x61: {  	_ =	shalt  }
0x62: {  	_ =	shalt  }
0x63: {  	_ =	shalt  }
0x64: {  	_ =	shalt  }
0x65: {  	_ =	shalt  }
0x66: {  	_ =	shalt  }
0x67: {  	_ =	shalt  }
0x68: {  	_ =	shalt  }
0x69: {  	_ =	shalt  }
0x6a: {  	_ =	shalt  }
0x6b: {  	_ =	shalt  }
0x6c: {  	_ =	shalt  }
0x6d: {  	_ =	shalt  }
0x6e: {  	_ =	shalt  }
0x6f: {  	_ =	shalt  }
0x70: {  	_ =	shalt  }
0x71: {  	_ =	shalt  }
0x72: {  	_ =	shalt  }
0x73: {  	_ =	shalt  }
0x74: {  	_ =	shalt  }
0x75: {  	_ =	shalt  }
0x76: {  	_ =	shalt  }
0x77: {  	_ =	shalt  }
0x78: {  	_ =	shalt  }
0x79: {  	_ =	shalt  }
0x7a: {  	_ =	shalt  }
0x7b: {  	_ =	shalt  }
0x7c: {  	_ =	shalt  }
0x7d: {  	_ =	shalt  }
0x7e: {  	_ =	shalt  }
0x7f: {  	_ =	shalt  }
0x80: {  	_ =	shalt  }
0x81: {  	_ =	shalt  }
0x82: {  	_ =	shalt  }
0x83: {  	_ =	shalt  }
0x84: {  	_ =	shalt  }
0x85: {  	_ =	shalt  }
0x86: {  	_ =	shalt  }
0x87: {  	_ =	shalt  }
.Lfunc_end0:
.L_simem_size_0:
called_computation.2_lowered:
.L_overlay_start_0:
0x88: {  	s2 =	sld [smem:$0x3FD9]  }
0x89: {  	s3 =	sld [smem:$0x3FFE];
	_ =	sdelay $0x1  }
0x8a: {  	s1 =	srdreg.scid  }
0x8b: {  	s0 =	sand.u32 $0x1, s1  }
0x8c: {  	s17 =	sshll.u32 s0, $0xA;
	s2 =	sadd.s32 s3, s2  }
0x8d: {  	s2 =	sadd.s32 s2, s17  }
0x8e: {  	[smem:$0x3FBB] =	sst s2  }
0x8f: {  	_ = 	snop  }
0x90: {  	s2 =	sld [smem:$0x3FD0];
	(tm) =	ssettm $0x1  }
0x91: {  	s18 =	sld [smem:$0x3FFB];
	_ =	sdelay $0x3  }
0x92: {  	_ =	strace s18  }
0x93: {  	s3 =	sld [smem:$0x3FFC];
	_ =	sdelay $0x3  }
0x94: {  	_ =	strace s3  }
0x95: {  	s3 =	sld [smem:$0x3FFD];
	_ =	sdelay $0x3  }
0x96: {  	_ =	strace s3  }
0x97: {  	_ =	strace $0x8FFFFFFF  }
0x98: {  	s19 =	sld [smem:$0x3FDB];
	_ =	sdelay $0x1  }
0x99: {  	s4 =	simm.s32 $_scs_section_size  }
0x9a: {  	s5 =	simm.s32 $_size__tile_overlayer_lowered;
	s6 =	simm.s32 $_tile_overlayer_lowered  }
0x9b: {  	s22 =	simm.s32 $0x1BFF;
	s21 =	sshll.u32 s6, $0x1;
	s3 =	sadd.s32 s4, s19  }
0x9c: {  	s7 =	simm.s32 $0x0;
	s20 =	sshll.u32 s5, $0x1;
	s5 =	sadd.s32 s21, s3  }
0x9d: {  	[timem:s7], [sflag:s22] =	dma.local [hbm:s5], s20  }
0x9e: {  	_ =	swait.ge [sflag:s22], s20  }
0x9f: {  	s4 =	ssub.s32 $0x0, s20;
	[sflag:s22] =	ssyncset.done $0x0  }
0xa0: {  	[sflag:s22] =	ssyncadd.s32 s4;
	_ =	sdelay $0x1  }
0xa1: {  	s23 =	simm.s32 $0x1B8B  }
0xa2: {  	_ =	swait.ge [sflag:s23], $0x1  }
0xa3: {  	[sflag:s23] =	ssyncset.done $0x0  }
0xa4: {  	s25 =	simm.s32 $0x1B8E;
	s24 =	sld [smem:$0x3FFE];
	[sflag:s23] =	ssyncadd.s32 $0xFFFFFFFF  }
0xa5: {  	s26 =	simm.s32 $execute0_lowered;
	[smem:$0x3FD2] =	sst s25  }
0xa6: {  	s5 =	sshll.u32 s26, $0x1;
	_ =	strace $0x8000004C;
	[dreg:$0x1] =	wrdreg $0xFFFFFFFF  }
0xa7: {  	s28 =	simm.s32 $_size_execute0_lowered;
	s3 =	sadd.s32 s3, s5;
	[dreg:$0x0] =	wrdreg $0x0  }
0xa8: {  	s5 =	sshll.u32 s28, $0x1;
	[dreg:$0x2] =	wrdreg s3  }
0xa9: {  	[dreg:$0x3] =	wrdreg s5  }
0xaa: {  	[dreg:$0x4] =	wrdreg $0xC0  }
0xab: {  	_ =	task [dreg:s7], $0x5FFFF  }
0xac: {  	[dreg:$0x1] =	wrdreg $0xFFFFFFFF  }
0xad: {  	[dreg:$0x0] =	wrdreg $0x60  }
0xae: {  	[dreg:$0x2] =	wrdreg s24  }
0xaf: {  	[dreg:$0x3] =	wrdreg s2  }
0xb0: {  	[dreg:$0x4] =	wrdreg $0x9  }
0xb1: {  	_ =	task.clear_ibuf [dreg:s7], $0x5FFFF;
	_ =	strace $0x9000004C  }
0xb2: {  	s29 =	simm.s32 $0x9;
	_ =	strace $0x8000004E  }
0xb3: {  	_ =	swait.ge [sflag:s29], $0x1  }
0xb4: {  	[sflag:s29] =	ssyncadd.s32 $0xFFFFFFFF  }
0xb5: {  	_ =	strace $0x9000004E  }
0xb6: {  	_ =	sfence  }
0xb7: {  	s30 =	sld [smem:$0x0];
	_ =	sdelay $0x2  }
0xb8: {  	s31 =	sshll.u32 s1, $0xD;
	s1 =	sshrl.u32 s1, $0x2  }
0xb9: {  	s3 =	sand.u32 $0x4000, s31;
	s1 =	sadd.s32 s1, s30  }
0xba: {  	s0 =	sor.u32 s3, s0;
	s1 =	sshll.u32 s1, $0x11  }
0xbb: {  	s0 =	sor.u32 s1, s0  }
0xbc: {  	s0 =	sadd.s32 $0x8F2B, s0  }
0xbd: {  	[sflag:s0] =	ssyncadd.remote.s32 $0x1  }
0xbe: {  	_ =	sfence.sel $0xFFFF  }
0xbf: {  	[dreg:$0x0] =	wrdreg $0xFFFFFFFF;
	(pc) =	sbr.abs _section_cstart, $3  }
0xc0: {  	[dreg:$0x1] =	wrdreg $0xFFFFFFFF  }
0xc1: {  	_ =	task.clear_ibuf [dreg:s7], $0x2FFFF;
	_ =	strace $0x9FFFFFFF  }
0xc2: {  	(tm) =	ssettm $0x7FFFFFFF  }
0xc3: {  	_ =	shalt  }
tec
execute0_lowered:
.L_overlay_start_1:
0x0: {  	(tag) =	ssettag $0x1  }
0x1: {  	s1 =	stileid.u32  }
0x2: {  	p0 =	sgt.u32 s1, $0xB  }
.Ltmp0:
0x3: {  	_ = 	snop;
	(pc) =	sbr.rel @p0 .LBB2_5-.Ltmp0, $4  }
0x4: {  	s4 =	rddreg [dreg:$0x0]  }
0x5: {  	s2 =	rddreg [dreg:$0x1];
	s3 =	simm.s32 $0x0  }
0x6: {  	[smem:$0x7FF] =	sst s3  }
0x7: {  	s0 =	rddreg [dreg:$0x2];
	_ =	strace $0x8000004D  }
0x8: {  	s5 =	srdreg.scid  }
0x9: {  	s6 =	sshll.u32 s1, $0x3;
	s8 =	sadd.s32 $0x4DC00, s4;
	s5 =	sand.u32 $0x1, s5  }
0xa: {  	s9 =	simm.s32 $0x300;
	s10 =	simm.s32 $0x1;
	s7 =	sshll.u32 s5, $0x2  }
0xb: {  	s11 =	simm.s32 $0xCB30;
	s5 =	ssub.s32 $0x2, s5;
	s6 =	sor.u32 s7, s6  }
0xc: {  	s12 =	simm.s32 $0x0;
	s30 =	sshrl.u32 s5, $0x1;
	s31 =	sadd.s32 s6, s4  }
0xd: {  	s7 =	ssub.s32 s5, s30;
	s5 =	sadd.s32 s8, s6;
	s8 =	simm.s32 $0x20  }
0xe: {  	s4 =	sadd.s32 $0x2C00, s31;
	s6 =	smax.u32 s7, $0x1;
	s7 =	sadd.s32 $0x64, s2  }
.LBB2_2:
0xf: {  	s14 =	simm.s32 $0x0  }
0x10: {  	[tilespmem:s14], [sflag:$0x1] =	stream.strided.gather [hbm4b:s5+s8], $0xC800, s9, s8, $0x38;
	[tilespmem:$0xCE60] =	vst v63  }
0x11: {  	_ =	swait.ge [sflag:s10], $0xC800  }
0x12: {  	[sflag:s10] =	ssyncset.done $0x0  }
0x13: {  	s13 =	simm.s32 $0xC800;
	[sflag:s10] =	ssyncadd.s32 $0xFFFF3800  }
0x14: {  	[tilespmem:s13], [sflag:$0x1] =	stream.linear.gather [hbm4b:s2+s14], $0x320, $0x38;
	[tilespmem:$0xCE60] =	vst v63  }
0x15: {  	_ = 	snop  }
0x16: {  	[tilespmem:s11], [sflag:$0x1] =	stream.linear.gather [hbm4b:s7+s14], $0x320, $0x38;
	[tilespmem:$0xCE60] =	vst v63  }
0x17: {  	_ =	swait.ge [sflag:s10], $0x640  }
0x18: {  	[sflag:s10] =	ssyncset.done $0x0  }
0x19: {  	s14 =	sand.u32 $0x3FF, s14;
	[sflag:s10] =	ssyncadd.s32 $0xFFFFF9C0  }
0x1a: {  	v0 =	vld [tilespmem:s14+$0xCB30];
	_ =	sdelay $0x1  }
0x1b: {  	v1 =	vld [tilespmem:s13+$0x0]  }
0x1c: {  	s14 =	simm.s32 $0x1  }
.LBB2_3:
0x1d: {  	p0 =	sne.s32 s14, $0x31F  }
0x1e: {  	(v2sf) =	vpush v0, $0x0;
	_ =	sdelay $0x1  }
0x1f: {  	(v2sf) =	vpush v1, $0x0;
	_ =	sdelay $0xc  }
0x20: {  	s15 =	spop (v2sf)  }
0x21: {  	s15 =	sshll.u32 s15, $0x7  }
0x22: {  	s15 =	sshra.s32 s15, $0x2;
	s16 =	spop (v2sf)  }
0x23: {  	s16 =	sshll.u32 s16, $0x7;
	v0 =	vld [tilespmem:s15+$0x0]  }
0x24: {  	s16 =	sshra.s32 s16, $0x2;
	v1 =	vld [tilespmem:s15+$0x10]  }
0x25: {  	v2 =	vld [tilespmem:s16+$0x0]  }
0x26: {  	v3 =	vld [tilespmem:s16+$0x10];
	_ =	sdelay $0x3  }
0x27: {  	v0 =	vmul.f32 $5.000000000e-01, v0;
	v2 =	vmul.f32 $5.000000000e-01, v2  }
0x28: {  	v1 =	vmul.f32 $5.000000000e-01, v1;
	v3 =	vmul.f32 $5.000000000e-01, v3  }
0x29: {  	v0 =	vadd.f32 v0, v2  }
0x2a: {  	v1 =	vadd.f32 v1, v3  }
0x2b: {  	[tilespmem:s16+$0x0] =	vst v0  }
0x2c: {  	[tilespmem:s16+$0x10] =	vst v1  }
0x2d: {  	[tilespmem:s15+$0x10] =	vst v1  }
.Ltmp1:
0x2e: {  	s16 =	sand.u32 $0x3FF, s14;
	[tilespmem:s15+$0x0] =	vst v0;
	(pc) =	sbr.rel @p0 .LBB2_3-.Ltmp1, $4  }
0x2f: {  	v0 =	vld [tilespmem:s16+$0xCB30]  }
0x30: {  	s13 =	sadd.s32 $0x1, s13  }
0x31: {  	v1 =	vld [tilespmem:s13+$0x0]  }
0x32: {  	s14 =	sadd.s32 $0x1, s14  }
0x33: {  	_ = 	snop  }
0x34: {  	(v2sf) =	vpush v0, $0x0;
	_ =	sdelay $0x1  }
0x35: {  	(v2sf) =	vpush v1, $0x0;
	_ =	sdelay $0xc  }
0x36: {  	s13 =	spop (v2sf)  }
0x37: {  	s13 =	sshll.u32 s13, $0x7  }
0x38: {  	s13 =	sshra.s32 s13, $0x2;
	s14 =	spop (v2sf)  }
0x39: {  	s14 =	sshll.u32 s14, $0x7;
	v62 =	vld [tilespmem:s13+$0x0]  }
0x3a: {  	v63 =	vld [tilespmem:s13+$0x10];
	s14 =	sshra.s32 s14, $0x2  }
0x3b: {  	v2 =	vld [tilespmem:s14+$0x0]  }
0x3c: {  	v3 =	vld [tilespmem:s14+$0x10];
	_ =	sdelay $0x3  }
0x3d: {  	v0 =	vmul.f32 $5.000000000e-01, v62;
	v2 =	vmul.f32 $5.000000000e-01, v2  }
0x3e: {  	v1 =	vmul.f32 $5.000000000e-01, v63;
	v3 =	vmul.f32 $5.000000000e-01, v3  }
0x3f: {  	v0 =	vadd.f32 v0, v2  }
0x40: {  	v1 =	vadd.f32 v1, v3  }
0x41: {  	[tilespmem:s14+$0x0] =	vst v0  }
0x42: {  	s12 =	sadd.s32 $0x1, s12;
	[tilespmem:s14+$0x10] =	vst v1  }
0x43: {  	p0 =	sne.s32 s12, s6;
	[tilespmem:s13+$0x10] =	vst v1  }
.Ltmp2:
0x44: {  	[tilespmem:s13+$0x0] =	vst v0;
	(pc) =	sbr.rel @p0 .LBB2_2-.Ltmp2, $4  }
0x45: {  	[hbm4b:s4+s8] =	stream.strided.scatter [tilespmem:s3], [sflag:$0x1], $0x6400, s9, s8, $0x38;
	[tilespmem:$0xCE60] =	vst v63  }
0x46: {  	_ =	swait.ge [sflag:s10], $0x6400  }
0x47: {  	[sflag:s10] =	ssyncset.done $0x0  }
0x48: {  	[sflag:s10] =	ssyncadd.s32 $0xFFFF9C00  }
.LBB2_5:
0x49: {  	_ =	sfence.sel $0x180000  }
0x4a: {  	[bflag:$0x0] =	sbarrier.arrive $0xFFFF  }
0x4b: {  	p0 =	sne.s32 s1, $0x0;
	_ =	strace $0x9000004D  }
0x4c: {  	s0 =	sadd.s32 @!p0 $0x100000, s0;
	[bflag:$0x2] =	sbarrier.arrive $0xFFFF  }
0x4d: {  	[sflag:s0] =	ssyncadd.tile.s32 @!p0 $0x1;
	_ =	shalt  }
.Lfunc_end2:
_tile_overlayer_lowered:
.L_overlay_start_2:
0x4e: {  	(tag) =	ssettag $0x2  }
0x4f: {  	s0 =	rddreg [dreg:$0x0];
	s2 =	stileid.u32  }
0x50: {  	s1 =	rddreg [dreg:$0x1];
	p0 =	sne.s32 s2, $0x0  }
0x51: {  	s3 =	rddreg [dreg:$0x2];
	[bflag:$0x3] =	sbarrier.arrive $0xFFFF;
	s2 =	simm.s32 @!p0 $0x1C01  }
0x52: {  	[timem:s3], [sflag:s2] =	dma.local @!p0 [hbm:s0], s1  }
0x53: {  	s0 =	simm.s32 @!p0 $0x1  }
0x54: {  	_ =	swait.ge @!p0 [sflag:s0], s1  }
0x55: {  	s1 =	ssub.s32 @!p0 $0x0, s1;
	[sflag:s0] =	ssyncset.done @!p0 $0x0  }
0x56: {  	[sflag:s0] =	ssyncadd.s32 @!p0 s1  }
0x57: {  	[bflag:$0x3] =	sbarrier.arrive $0xFFFF  }
0x58: {  	_ =	shalt  }

// kernel: kernel.22.cloned.1.call-start
scs
__scs_entry_jumppad:
0x0: {  	(pc) =	sbr.rel $0x88, $3  }
0x1: {  	(tag) =	ssettag $0x0;
	lr =	simm.s32 $0x1  }
0x2: {  	[smem:$0x3F94] =	sst lr;
	_ =	strace $0xD0000000  }
0x3: {  	_ = 	snop  }
0x4: {  	_ = 	snop  }
0x5: {  	_ = 	snop  }
0x6: {  	_ = 	snop  }
0x7: {  	_ = 	snop  }
__scs_overlays_trampoline_lowered:
0x8: {  	[smem:$0x3FA3] =	sst s0  }
0x9: {  	[smem:$0x3FA4] =	sst s1  }
0xa: {  	[smem:$0x3FA5] =	sst s2  }
0xb: {  	[smem:$0x3FA6] =	sst s3  }
0xc: {  	[smem:$0x3FA7] =	sst s4  }
0xd: {  	[smem:$0x3FA8] =	sst s5  }
0xe: {  	[smem:$0x3FA9] =	sst s6  }
0xf: {  	[smem:$0x3FAA] =	sst s7  }
0x10: {  	[smem:$0x3FAB] =	sst s8  }
0x11: {  	[smem:$0x3FAC] =	sst s9;
	s0 =	simm.s32 @!p0 $0x0  }
0x12: {  	s1 =	sld [smem:$0x3F92];
	s0 =	simm.s32 @p0 $0x1  }
0x13: {  	[smem:$0x3FAD] =	sst s0;
	s0 =	simm.s32 @!p1 $0x0  }
0x14: {  	s2 =	sld [smem:$0x3F91];
	s0 =	simm.s32 @p1 $0x1  }
0x15: {  	[smem:$0x3FAE] =	sst s0;
	s0 =	simm.s32 @!p2 $0x0  }
0x16: {  	s3 =	sld [smem:$0x3FDB];
	s0 =	simm.s32 @p2 $0x1  }
0x17: {  	s4 =	simm.s32 $0x1BF5;
	[smem:$0x3FB0] =	sst s0  }
0x18: {  	s0 =	sld [smem:$0x3F93];
	_ =	swait.ge [sflag:s4], $0x0  }
0x19: {  	s7 =	sld [smem:$0x3F94]  }
0x1a: {  	s8 =	sadd.s32 $0xFFFFE003, lr  }
0x1b: {  	s9 =	sadd.s32 $0xFFFFFEF7, lr;
	s5 =	simm.s32 $0xFFFFFFFF;
	p2 =	slt.u32 s8, $0xFFFFF086  }
0x1c: {  	p1 =	slt.u32 s9, $0xF7A;
	s5 =	simm.s32 @!p2 $0x0  }
0x1d: {  	s5 =	simm.s32 @p1 $0x1;
	p0 =	seq.s32 s7, s2  }
0x1e: {  	s7 =	smul.u32 @!p0 $0xF7A, s2;
	p2 =	seq.s32 @!p0 s5, $0x0  }
0x1f: {  	s9 =	smul.u32 $0xF7A, s1;
	s8 =	simm.s32 @!p0 $0x1BF5;
	p2 =	por !p2, p0  }
0x20: {  	[sflag:s8] =	ssyncset.s32 @!p0 $0xFFFFF086;
	s6 =	sadd.s32 @!p0 s3, s7;
	s7 =	simm.s32 @!p0 $0x108  }
0x21: {  	s3 =	sadd.s32 s3, s9;
	s6 =	sadd.s32 @!p0 $0x88, s6;
	s7 =	simm.s32 @p2 $0x1082  }
0x22: {  	[simem:s7], [sflag:s8] =	dma.local @!p0 [hbm:s6], $0xF7A  }
0x23: {  	s9 =	sor.u32 $0xD0000000, s2;
	s6 =	simm.s32 $0x108;
	_ =	swait.ge @!p0 [sflag:s8], $0x0  }
0x24: {  	s3 =	sadd.s32 $0x88, s3;
	s6 =	simm.s32 @!p1 $0x1082;
	[sflag:s4] =	ssyncset.s32 $0xFFFFF086  }
0x25: {  	[simem:s6], [sflag:s4] =	dma.local [hbm:s3], $0xF7A  }
0x26: {  	[smem:$0x3F94] =	sst s1;
	(tag) =	ssettag s2;
	_ =	strace s9  }
0x27: {  	s1 =	sld [smem:$0x3FA4]  }
0x28: {  	s2 =	sld [smem:$0x3FA5]  }
0x29: {  	s4 =	sld [smem:$0x3FA7]  }
0x2a: {  	p0 =	seq.s32 s5, $0x0;
	s5 =	sld [smem:$0x3FA8]  }
0x2b: {  	s6 =	sld [smem:$0x3FA9]  }
0x2c: {  	s7 =	sld [smem:$0x3FAA]  }
0x2d: {  	s3 =	simm.s32 $0x108;
	s8 =	sld [smem:$0x3FAB]  }
0x2e: {  	s3 =	simm.s32 @!p0 $0x1082;
	s9 =	sld [smem:$0x3FAC]  }
0x2f: {  	lr =	sadd.s32 s0, s3;
	s0 =	sld [smem:$0x3FA3]  }
0x30: {  	s3 =	sld [smem:$0x3FA6]  }
0x31: {  	[smem:$0x3FAF] =	sst s10  }
0x32: {  	s10 =	sld [smem:$0x3FAD];
	_ =	sdelay $0x3  }
0x33: {  	p0 =	seq.s32 s10, $0x1;
	s10 =	sld [smem:$0x3FAF];
	_ =	sdelay $0x3  }
0x34: {  	[smem:$0x3FAF] =	sst s10  }
0x35: {  	s10 =	sld [smem:$0x3FAE];
	_ =	sdelay $0x3  }
0x36: {  	p1 =	seq.s32 s10, $0x1;
	s10 =	sld [smem:$0x3FAF];
	_ =	sdelay $0x3  }
0x37: {  	[smem:$0x3FAF] =	sst s10  }
0x38: {  	s10 =	sld [smem:$0x3FB0]  }
0x39: {  	_ = 	snop;
	(pc) =	sbr.ind lr, $3  }
0x3a: {  	_ = 	snop  }
0x3b: {  	_ = 	snop  }
0x3c: {  	p2 =	seq.s32 s10, $0x1;
	s10 =	sld [smem:$0x3FAF]  }
0x3d: {  	_ =	shalt  }
0x3e: {  	_ =	shalt  }
0x3f: {  	_ =	shalt  }
0x40: {  	_ =	shalt  }
0x41: {  	_ =	shalt  }
0x42: {  	_ =	shalt  }
0x43: {  	_ =	shalt  }
0x44: {  	_ =	shalt  }
0x45: {  	_ =	shalt  }
0x46: {  	_ =	shalt  }
0x47: {  	_ =	shalt  }
0x48: {  	_ =	shalt  }
0x49: {  	_ =	shalt  }
0x4a: {  	_ =	shalt  }
0x4b: {  	_ =	shalt  }
0x4c: {  	_ =	shalt  }
0x4d: {  	_ =	shalt  }
0x4e: {  	_ =	shalt  }
0x4f: {  	_ =	shalt  }
0x50: {  	_ =	shalt  }
0x51: {  	_ =	shalt  }
0x52: {  	_ =	shalt  }
0x53: {  	_ =	shalt  }
0x54: {  	_ =	shalt  }
0x55: {  	_ =	shalt  }
0x56: {  	_ =	shalt  }
0x57: {  	_ =	shalt  }
0x58: {  	_ =	shalt  }
0x59: {  	_ =	shalt  }
0x5a: {  	_ =	shalt  }
0x5b: {  	_ =	shalt  }
0x5c: {  	_ =	shalt  }
0x5d: {  	_ =	shalt  }
0x5e: {  	_ =	shalt  }
0x5f: {  	_ =	shalt  }
0x60: {  	_ =	shalt  }
0x61: {  	_ =	shalt  }
0x62: {  	_ =	shalt  }
0x63: {  	_ =	shalt  }
0x64: {  	_ =	shalt  }
0x65: {  	_ =	shalt  }
0x66: {  	_ =	shalt  }
0x67: {  	_ =	shalt  }
0x68: {  	_ =	shalt  }
0x69: {  	_ =	shalt  }
0x6a: {  	_ =	shalt  }
0x6b: {  	_ =	shalt  }
0x6c: {  	_ =	shalt  }
0x6d: {  	_ =	shalt  }
0x6e: {  	_ =	shalt  }
0x6f: {  	_ =	shalt  }
0x70: {  	_ =	shalt  }
0x71: {  	_ =	shalt  }
0x72: {  	_ =	shalt  }
0x73: {  	_ =	shalt  }
0x74: {  	_ =	shalt  }
0x75: {  	_ =	shalt  }
0x76: {  	_ =	shalt  }
0x77: {  	_ =	shalt  }
0x78: {  	_ =	shalt  }
0x79: {  	_ =	shalt  }
0x7a: {  	_ =	shalt  }
0x7b: {  	_ =	shalt  }
0x7c: {  	_ =	shalt  }
0x7d: {  	_ =	shalt  }
0x7e: {  	_ =	shalt  }
0x7f: {  	_ =	shalt  }
0x80: {  	_ =	shalt  }
0x81: {  	_ =	shalt  }
0x82: {  	_ =	shalt  }
0x83: {  	_ =	shalt  }
0x84: {  	_ =	shalt  }
0x85: {  	_ =	shalt  }
0x86: {  	_ =	shalt  }
0x87: {  	_ =	shalt  }
.Lfunc_end0:
.L_simem_size_0:
called_computation.3_lowered:
.L_overlay_start_0:
0x88: {  	s2 =	sld [smem:$0x3FD9]  }
0x89: {  	s3 =	sld [smem:$0x3FFE];
	_ =	sdelay $0x1  }
0x8a: {  	s1 =	srdreg.scid  }
0x8b: {  	s0 =	sand.u32 $0x1, s1  }
0x8c: {  	s17 =	sshll.u32 s0, $0xA;
	s2 =	sadd.s32 s3, s2  }
0x8d: {  	s2 =	sadd.s32 s2, s17  }
0x8e: {  	[smem:$0x3FBB] =	sst s2  }
0x8f: {  	_ = 	snop  }
0x90: {  	s2 =	sld [smem:$0x3FD0];
	(tm) =	ssettm $0x1  }
0x91: {  	s18 =	sld [smem:$0x3FFB];
	_ =	sdelay $0x3  }
0x92: {  	_ =	strace s18  }
0x93: {  	s3 =	sld [smem:$0x3FFC];
	_ =	sdelay $0x3  }
0x94: {  	_ =	strace s3  }
0x95: {  	s3 =	sld [smem:$0x3FFD];
	_ =	sdelay $0x3  }
0x96: {  	_ =	strace s3  }
0x97: {  	_ =	strace $0x8FFFFFFF  }
0x98: {  	s19 =	sld [smem:$0x3FDB];
	_ =	sdelay $0x1  }
0x99: {  	s4 =	simm.s32 $_scs_section_size  }
0x9a: {  	s5 =	simm.s32 $_size__tile_overlayer_lowered;
	s6 =	simm.s32 $_tile_overlayer_lowered  }
0x9b: {  	s22 =	simm.s32 $0x1BFF;
	s21 =	sshll.u32 s6, $0x1;
	s3 =	sadd.s32 s4, s19  }
0x9c: {  	s7 =	simm.s32 $0x0;
	s20 =	sshll.u32 s5, $0x1;
	s5 =	sadd.s32 s21, s3  }
0x9d: {  	[timem:s7], [sflag:s22] =	dma.local [hbm:s5], s20  }
0x9e: {  	_ =	swait.ge [sflag:s22], s20  }
0x9f: {  	s4 =	ssub.s32 $0x0, s20;
	[sflag:s22] =	ssyncset.done $0x0  }
0xa0: {  	[sflag:s22] =	ssyncadd.s32 s4;
	_ =	sdelay $0x1  }
0xa1: {  	s23 =	simm.s32 $0x1B8B  }
0xa2: {  	_ =	swait.ge [sflag:s23], $0x1  }
0xa3: {  	[sflag:s23] =	ssyncset.done $0x0  }
0xa4: {  	s25 =	simm.s32 $0x1B8E;
	s24 =	sld [smem:$0x3FFE];
	[sflag:s23] =	ssyncadd.s32 $0xFFFFFFFF  }
0xa5: {  	s26 =	simm.s32 $execute0_lowered;
	[smem:$0x3FD2] =	sst s25  }
0xa6: {  	s5 =	sshll.u32 s26, $0x1;
	_ =	strace $0x8000004F;
	[dreg:$0x1] =	wrdreg $0xFFFFFFFF  }
0xa7: {  	s28 =	simm.s32 $_size_execute0_lowered;
	s3 =	sadd.s32 s3, s5;
	[dreg:$0x0] =	wrdreg $0x0  }
0xa8: {  	s5 =	sshll.u32 s28, $0x1;
	[dreg:$0x2] =	wrdreg s3  }
0xa9: {  	[dreg:$0x3] =	wrdreg s5  }
0xaa: {  	[dreg:$0x4] =	wrdreg $0xC0  }
0xab: {  	_ =	task [dreg:s7], $0x5FFFF  }
0xac: {  	[dreg:$0x1] =	wrdreg $0xFFFFFFFF  }
0xad: {  	[dreg:$0x0] =	wrdreg $0x60  }
0xae: {  	[dreg:$0x2] =	wrdreg s24  }
0xaf: {  	[dreg:$0x3] =	wrdreg s2  }
0xb0: {  	[dreg:$0x4] =	wrdreg $0x9  }
0xb1: {  	_ =	task.clear_ibuf [dreg:s7], $0x5FFFF;
	_ =	strace $0x9000004F  }
0xb2: {  	s29 =	simm.s32 $0x9;
	_ =	strace $0x80000051  }
0xb3: {  	_ =	swait.ge [sflag:s29], $0x1  }
0xb4: {  	[sflag:s29] =	ssyncadd.s32 $0xFFFFFFFF  }
0xb5: {  	_ =	strace $0x90000051  }
0xb6: {  	_ =	sfence  }
0xb7: {  	s30 =	sld [smem:$0x0];
	_ =	sdelay $0x2  }
0xb8: {  	s31 =	sshll.u32 s1, $0xD;
	s1 =	sshrl.u32 s1, $0x2  }
0xb9: {  	s3 =	sand.u32 $0x4000, s31;
	s1 =	sadd.s32 s1, s30  }
0xba: {  	s0 =	sor.u32 s3, s0;
	s1 =	sshll.u32 s1, $0x11  }
0xbb: {  	s0 =	sor.u32 s1, s0  }
0xbc: {  	s0 =	sadd.s32 $0x8F2B, s0  }
0xbd: {  	[sflag:s0] =	ssyncadd.remote.s32 $0x1  }
0xbe: {  	_ =	sfence.sel $0xFFFF  }
0xbf: {  	[dreg:$0x0] =	wrdreg $0xFFFFFFFF;
	(pc) =	sbr.abs _section_cstart, $3  }
0xc0: {  	[dreg:$0x1] =	wrdreg $0xFFFFFFFF  }
0xc1: {  	_ =	task.clear_ibuf [dreg:s7], $0x2FFFF;
	_ =	strace $0x9FFFFFFF  }
0xc2: {  	(tm) =	ssettm $0x7FFFFFFF  }
0xc3: {  	_ =	shalt  }
tec
execute0_lowered:
.L_overlay_start_1:
0x0: {  	(tag) =	ssettag $0x1  }
0x1: {  	s1 =	stileid.u32  }
0x2: {  	p0 =	sgt.u32 s1, $0xB  }
.Ltmp0:
0x3: {  	_ = 	snop;
	(pc) =	sbr.rel @p0 .LBB2_5-.Ltmp0, $4  }
0x4: {  	s3 =	rddreg [dreg:$0x0]  }
0x5: {  	s4 =	rddreg [dreg:$0x1];
	s2 =	simm.s32 $0x0  }
0x6: {  	[smem:$0x7FF] =	sst s2  }
0x7: {  	s0 =	rddreg [dreg:$0x2];
	_ =	strace $0x80000050  }
0x8: {  	s5 =	srdreg.scid  }
0x9: {  	s6 =	sadd.s32 $0x2C00, s3;
	s8 =	sshll.u32 s1, $0x3;
	s3 =	sadd.s32 $0x15800, s3  }
0xa: {  	s10 =	simm.s32 $0x1;
	s11 =	simm.s32 $0x64D8;
	s5 =	sand.u32 $0x1, s5  }
0xb: {  	s12 =	simm.s32 $0x0;
	s7 =	ssub.s32 $0x2, s5;
	s5 =	sshll.u32 s5, $0x2  }
0xc: {  	s9 =	sshrl.u32 s7, $0x1;
	s5 =	sor.u32 s5, s8;
	s8 =	simm.s32 $0x20  }
0xd: {  	s7 =	ssub.s32 s7, s9;
	s4 =	sadd.s32 s4, s5;
	s5 =	sadd.s32 s6, s5  }
0xe: {  	s9 =	simm.s32 $0x300;
	s6 =	smax.u32 s7, $0x1;
	s7 =	sadd.s32 $0x19, s3  }
.LBB2_2:
0xf: {  	s14 =	simm.s32 $0x0  }
0x10: {  	[tilespmem:s14], [sflag:$0x1] =	stream.strided.gather [hbm4b:s5+s8], $0x6400, s9, s8, $0x38;
	[tilespmem:$0x65B0] =	vst v63  }
0x11: {  	_ =	swait.ge [sflag:s10], $0x6400  }
0x12: {  	[sflag:s10] =	ssyncset.done $0x0  }
0x13: {  	s13 =	simm.s32 $0x6400;
	[sflag:s10] =	ssyncadd.s32 $0xFFFF9C00  }
0x14: {  	[tilespmem:s13], [sflag:$0x1] =	stream.linear.gather [hbm4b:s3+s14], $0xC8, $0x38;
	[tilespmem:$0x65B0] =	vst v63  }
0x15: {  	_ = 	snop  }
0x16: {  	[tilespmem:s11], [sflag:$0x1] =	stream.linear.gather [hbm4b:s7+s14], $0xC8, $0x38;
	[tilespmem:$0x65B0] =	vst v63  }
0x17: {  	_ =	swait.ge [sflag:s10], $0x190  }
0x18: {  	[sflag:s10] =	ssyncset.done $0x0  }
0x19: {  	s14 =	sand.u32 $0xFF, s14;
	[sflag:s10] =	ssyncadd.s32 $0xFFFFFE70  }
0x1a: {  	v0 =	vld [tilespmem:s14+$0x64D8];
	_ =	sdelay $0x1  }
0x1b: {  	v1 =	vld [tilespmem:s13+$0x0]  }
0x1c: {  	s14 =	simm.s32 $0x1  }
.LBB2_3:
0x1d: {  	p0 =	sne.s32 s14, $0xC7  }
0x1e: {  	(v2sf) =	vpush v0, $0x0;
	_ =	sdelay $0x1  }
0x1f: {  	(v2sf) =	vpush v1, $0x0;
	_ =	sdelay $0xc  }
0x20: {  	s15 =	spop (v2sf)  }
0x21: {  	s15 =	sshll.u32 s15, $0x7  }
0x22: {  	s15 =	sshra.s32 s15, $0x2;
	s16 =	spop (v2sf)  }
0x23: {  	s16 =	sshll.u32 s16, $0x7;
	v0 =	vld [tilespmem:s15+$0x0]  }
0x24: {  	s16 =	sshra.s32 s16, $0x2;
	v1 =	vld [tilespmem:s15+$0x10]  }
0x25: {  	v2 =	vld [tilespmem:s16+$0x0]  }
0x26: {  	v3 =	vld [tilespmem:s16+$0x10];
	_ =	sdelay $0x3  }
0x27: {  	v0 =	vmul.f32 $4.000000060e-01, v0;
	v2 =	vmul.f32 $6.000000240e-01, v2  }
0x28: {  	v1 =	vmul.f32 $4.000000060e-01, v1;
	v3 =	vmul.f32 $6.000000240e-01, v3  }
0x29: {  	v0 =	vadd.f32 v0, v2  }
0x2a: {  	v1 =	vadd.f32 v1, v3  }
0x2b: {  	[tilespmem:s16+$0x0] =	vst v0  }
0x2c: {  	[tilespmem:s16+$0x10] =	vst v1  }
0x2d: {  	[tilespmem:s15+$0x10] =	vst v1  }
.Ltmp1:
0x2e: {  	s16 =	sand.u32 $0xFF, s14;
	[tilespmem:s15+$0x0] =	vst v0;
	(pc) =	sbr.rel @p0 .LBB2_3-.Ltmp1, $4  }
0x2f: {  	v0 =	vld [tilespmem:s16+$0x64D8]  }
0x30: {  	s13 =	sadd.s32 $0x1, s13  }
0x31: {  	v1 =	vld [tilespmem:s13+$0x0]  }
0x32: {  	s14 =	sadd.s32 $0x1, s14  }
0x33: {  	_ = 	snop  }
0x34: {  	(v2sf) =	vpush v0, $0x0;
	_ =	sdelay $0x1  }
0x35: {  	(v2sf) =	vpush v1, $0x0;
	_ =	sdelay $0xc  }
0x36: {  	s13 =	spop (v2sf)  }
0x37: {  	s13 =	sshll.u32 s13, $0x7  }
0x38: {  	s13 =	sshra.s32 s13, $0x2;
	s14 =	spop (v2sf)  }
0x39: {  	s14 =	sshll.u32 s14, $0x7;
	v62 =	vld [tilespmem:s13+$0x0]  }
0x3a: {  	v63 =	vld [tilespmem:s13+$0x10];
	s14 =	sshra.s32 s14, $0x2  }
0x3b: {  	v2 =	vld [tilespmem:s14+$0x0]  }
0x3c: {  	v3 =	vld [tilespmem:s14+$0x10];
	_ =	sdelay $0x3  }
0x3d: {  	v0 =	vmul.f32 $4.000000060e-01, v62;
	v2 =	vmul.f32 $6.000000240e-01, v2  }
0x3e: {  	v1 =	vmul.f32 $4.000000060e-01, v63;
	v3 =	vmul.f32 $6.000000240e-01, v3  }
0x3f: {  	v0 =	vadd.f32 v0, v2  }
0x40: {  	v1 =	vadd.f32 v1, v3  }
0x41: {  	[tilespmem:s14+$0x0] =	vst v0  }
0x42: {  	s12 =	sadd.s32 $0x1, s12;
	[tilespmem:s14+$0x10] =	vst v1  }
0x43: {  	p0 =	sne.s32 s12, s6;
	[tilespmem:s13+$0x10] =	vst v1  }
.Ltmp2:
0x44: {  	[tilespmem:s13+$0x0] =	vst v0;
	(pc) =	sbr.rel @p0 .LBB2_2-.Ltmp2, $4  }
0x45: {  	[hbm4b:s4+s8] =	stream.strided.scatter [tilespmem:s2], [sflag:$0x1], $0x4B00, s9, s8, $0x38;
	[tilespmem:$0x65B0] =	vst v63  }
0x46: {  	_ =	swait.ge [sflag:s10], $0x4B00  }
0x47: {  	[sflag:s10] =	ssyncset.done $0x0  }
0x48: {  	[sflag:s10] =	ssyncadd.s32 $0xFFFFB500  }
.LBB2_5:
0x49: {  	_ =	sfence.sel $0x180000  }
0x4a: {  	[bflag:$0x0] =	sbarrier.arrive $0xFFFF  }
0x4b: {  	p0 =	sne.s32 s1, $0x0;
	_ =	strace $0x90000050  }
0x4c: {  	s0 =	sadd.s32 @!p0 $0x100000, s0;
	[bflag:$0x2] =	sbarrier.arrive $0xFFFF  }
0x4d: {  	[sflag:s0] =	ssyncadd.tile.s32 @!p0 $0x1;
	_ =	shalt  }
.Lfunc_end2:
_tile_overlayer_lowered:
.L_overlay_start_2:
0x4e: {  	(tag) =	ssettag $0x2  }
0x4f: {  	s0 =	rddreg [dreg:$0x0];
	s2 =	stileid.u32  }
0x50: {  	s1 =	rddreg [dreg:$0x1];
	p0 =	sne.s32 s2, $0x0  }
0x51: {  	s3 =	rddreg [dreg:$0x2];
	[bflag:$0x3] =	sbarrier.arrive $0xFFFF;
	s2 =	simm.s32 @!p0 $0x1C01  }
0x52: {  	[timem:s3], [sflag:s2] =	dma.local @!p0 [hbm:s0], s1  }
0x53: {  	s0 =	simm.s32 @!p0 $0x1  }
0x54: {  	_ =	swait.ge @!p0 [sflag:s0], s1  }
0x55: {  	s1 =	ssub.s32 @!p0 $0x0, s1;
	[sflag:s0] =	ssyncset.done @!p0 $0x0  }
0x56: {  	[sflag:s0] =	ssyncadd.s32 @!p0 s1  }
0x57: {  	[bflag:$0x3] =	sbarrier.arrive $0xFFFF  }
0x58: {  	_ =	shalt  }

</sc_bundles>
